<compile_context>
chip_gen: v7x
topology: tpu7x:2x2x1
jax: 0.10.2.dev20260603
libtpu: 0.0.44.dev20260713+nightly
codegen_flags: <defaults>
</compile_context>

<pallas_src>
import functools

import jax
import jax.numpy as jnp
from jax import lax
from jax.experimental import pallas as pl
from jax.experimental.pallas import tpu as pltpu
from jax.experimental.pallas import tpu_sc as plsc

NUM_SEGS = 512
ROWS = 100000
DIM = 128
NQ = DIM // 16

TC_BLK = 1568
TC_NBLK = 37
TC_ROWS = TC_BLK * TC_NBLK

NW = 32
CHUNK = 32
NCH = 41
RPW = NCH * CHUNK
SC_ROWS = NW * RPW
assert TC_ROWS + SC_ROWS == ROWS
NBUF = 4


def _sc_segment_sum(x, b3d):
    mesh = plsc.VectorSubcoreMesh(core_axis_name="c", subcore_axis_name="s")

    @functools.partial(
        pl.kernel,
        out_type=jax.ShapeDtypeStruct((2, NUM_SEGS, DIM), jnp.float32),
        mesh=mesh,
        compiler_params=pltpu.CompilerParams(needs_layout_passes=False),
        scratch_types=[
            pltpu.VMEM((NBUF, CHUNK, DIM), jnp.float32),
            pltpu.VMEM((NCH, CHUNK), jnp.int32),
            pltpu.VMEM((CHUNK, DIM), jnp.float32),
            pltpu.VMEM_SHARED((NUM_SEGS, DIM), jnp.float32),
            pltpu.SemaphoreType.DMA,
            pltpu.SemaphoreType.DMA,
            pltpu.SemaphoreType.DMA,
            pltpu.SemaphoreType.DMA,
            pltpu.SemaphoreType.DMA,
            pltpu.SemaphoreType.DMA,
            pltpu.SemaphoreType.DMA,
            pltpu.SemaphoreType.DMA,
        ],
    )
    def seg_kernel(x_hbm, b_hbm, out_hbm, xbuf, bbuf, zbuf, shacc,
                   sx0, sx1, sx2, sx3, ss0, ss1, ss2, ss3):
        c = lax.axis_index("c")
        s = lax.axis_index("s")
        wid = s * 2 + c
        row0 = TC_ROWS + wid * RPW
        sx = [sx0, sx1, sx2, sx3]
        ss = [ss0, ss1, ss2, ss3]

        def x_copy(k, b):
            return pltpu.make_async_copy(
                x_hbm.at[pl.ds(row0 + k * CHUNK, CHUNK), :],
                xbuf.at[b], sx[b])

        def sc_copy(k, b):
            return pltpu.make_async_copy(
                xbuf.at[b], shacc.at[bbuf.at[k]], ss[b])

        for b in range(2):
            x_copy(b, b).start()

        pltpu.sync_copy(b_hbm.at[wid], bbuf)

        zeros16 = jnp.zeros((16,), jnp.float32)

        def _zrow(r, carry):
            for q in range(NQ):
                zbuf[r, pl.ds(16 * q, 16)] = zeros16
            return carry

        lax.fori_loop(0, CHUNK, _zrow, 0)
        pltpu.sync_copy(zbuf, shacc.at[pl.ds(s * 32, 32), :])
        plsc.subcore_barrier()

        def _chunk_body(i, carry):
            for b in range(NBUF):
                k = NBUF * i + b

                @pl.when(k < NCH)
                def _work():
                    x_copy(k, b).wait()
                    sc_copy(k, b).start(add=True)

                if b < 2:
                    @pl.when(jnp.logical_and(k >= 2, k - 2 < NCH))
                    def _drain():
                        sc_copy(k - 2, (b + 2) % NBUF).wait()
                else:
                    @pl.when(k - 2 < NCH)
                    def _drain2():
                        sc_copy(k - 2, (b + 2) % NBUF).wait()

                @pl.when(k + 2 < NCH)
                def _prefetch():
                    x_copy(k + 2, (b + 2) % NBUF).start()

            return carry

        lax.fori_loop(0, (NCH + 2 + NBUF - 1) // NBUF, _chunk_body, 0)
        plsc.subcore_barrier()

        pltpu.sync_copy(shacc.at[pl.ds(s * 32, 32), :],
                        out_hbm.at[c, pl.ds(s * 32, 32), :])

    return seg_kernel(x, b3d)


def _onehot_kernel(batch_ref, x_ref, out_ref):
    i = pl.program_id(0)

    @pl.when(i == 0)
    def _init():
        out_ref[...] = jnp.zeros_like(out_ref)

    bvals = batch_ref[0, 0, :]
    xs = x_ref[...].astype(jnp.bfloat16)
    seg_ids = lax.broadcasted_iota(jnp.int32, (TC_BLK, NUM_SEGS), 1)
    onehot = (seg_ids == bvals[:, None]).astype(jnp.bfloat16)
    out_ref[...] += lax.dot_general(onehot, xs, (((0,), (0,)), ((), ())),
                                    preferred_element_type=jnp.float32)


def _mlp_kernel(p_ref, ptc_ref, w0_ref, b0_ref, w1_ref, b1_ref, w2_ref,
                b2_ref, out_ref):
    seg = p_ref[0] + p_ref[1] + ptc_ref[...]
    h0 = lax.dot_general(seg, w0_ref[...], (((1,), (1,)), ((), ())),
                         preferred_element_type=jnp.float32)
    h0 = jnp.maximum(h0 + b0_ref[...], 0.0)
    h1 = lax.dot_general(h0, w1_ref[...], (((1,), (1,)), ((), ())),
                         preferred_element_type=jnp.float32)
    h1 = jnp.maximum(h1 + b1_ref[...], 0.0)
    h2 = lax.dot_general(h1, w2_ref[...], (((1,), (1,)), ((), ())),
                         preferred_element_type=jnp.float32)
    out_ref[...] = h2 + b2_ref[...]


def kernel(x, batch, y, W0, b0, W1, b1, W2, b2):
    batch = batch.astype(jnp.int32)
    b3d = batch[TC_ROWS:].reshape(NW, NCH, CHUNK)
    partials = _sc_segment_sum(x, b3d)

    batch3 = batch[:TC_ROWS].reshape(TC_NBLK, 1, TC_BLK)
    partial_tc = pl.pallas_call(
        _onehot_kernel,
        grid=(TC_NBLK,),
        in_specs=[
            pl.BlockSpec((1, 1, TC_BLK), lambda i: (i, 0, 0)),
            pl.BlockSpec((TC_BLK, DIM), lambda i: (i, 0)),
        ],
        out_specs=pl.BlockSpec((NUM_SEGS, DIM), lambda i: (0, 0)),
        out_shape=jax.ShapeDtypeStruct((NUM_SEGS, DIM), jnp.float32),
    )(batch3, x)

    pred = pl.pallas_call(
        _mlp_kernel,
        in_specs=[
            pl.BlockSpec((2, NUM_SEGS, DIM), lambda: (0, 0, 0)),
            pl.BlockSpec((NUM_SEGS, DIM), lambda: (0, 0)),
            pl.BlockSpec((64, DIM), lambda: (0, 0)),
            pl.BlockSpec((1, 64), lambda: (0, 0)),
            pl.BlockSpec((32, 64), lambda: (0, 0)),
            pl.BlockSpec((1, 32), lambda: (0, 0)),
            pl.BlockSpec((8, 32), lambda: (0, 0)),
            pl.BlockSpec((1, 8), lambda: (0, 0)),
        ],
        out_specs=pl.BlockSpec((NUM_SEGS, 8), lambda: (0, 0)),
        out_shape=jax.ShapeDtypeStruct((NUM_SEGS, 8), jnp.float32),
    )(partials, partial_tc, W0, b0.reshape(1, 64), W1, b1.reshape(1, 32),
      jnp.pad(W2, ((0, 7), (0, 0))), jnp.pad(b2.reshape(1, 1), ((0, 0), (0, 7))))
    return (pred[:, :1], y)

# --- scband reference (transcript-rebuilt; emitter-appended) ---
"""Pipeline reference for scband-sangraph-head-39539468927443 (READ-ONLY COPY).

The authoritative reference and input builder live on the scoring server;
editing this copy changes nothing except your own understanding.
"""

import jax, jax.numpy as jnp
import numpy as np

NUM_GRAPHS = 512
DIM_IN = 128
DIM_OUT = 1
L = 2


def setup_inputs(seed: int = 0) -> dict:
    key = jax.random.key(seed)
    ks = jax.random.split(key, 10)
    x = jax.random.normal(ks[0], (100000, DIM_IN), dtype=jnp.float32)
    batch = jnp.sort(jax.random.randint(ks[1], (100000,), 0, NUM_GRAPHS, dtype=jnp.int64))
    y = jax.random.normal(ks[2], (NUM_GRAPHS, DIM_OUT), dtype=jnp.float32)
    # FC layers: dim_in // 2**l -> dim_in // 2**(l+1) for l in range(L), then -> dim_out
    dims = [DIM_IN // (2 ** l) for l in range(L + 1)] + [DIM_OUT]
    # dims = [128, 64, 32, 1]; layer l: dims[l] -> dims[l+1]
    W0 = jax.random.normal(ks[3], (dims[1], dims[0]), dtype=jnp.float32) * (1.0 / np.sqrt(dims[0]))
    b0 = jnp.zeros((dims[1],), dtype=jnp.float32)
    W1 = jax.random.normal(ks[4], (dims[2], dims[1]), dtype=jnp.float32) * (1.0 / np.sqrt(dims[1]))
    b1 = jnp.zeros((dims[2],), dtype=jnp.float32)
    W2 = jax.random.normal(ks[5], (dims[3], dims[2]), dtype=jnp.float32) * (1.0 / np.sqrt(dims[2]))
    b2 = jnp.zeros((dims[3],), dtype=jnp.float32)
    return {"x": x, "batch": batch, "y": y, "W0": W0, "b0": b0, "W1": W1, "b1": b1, "W2": W2, "b2": b2}


def reference(x, batch, y, W0, b0, W1, b1, W2, b2):
    # GraphAddPooling: scatter-add node features into per-graph embeddings
    graph_emb = jax.ops.segment_sum(x, batch, num_segments=NUM_GRAPHS)
    # hidden FC layers with ReLU
    graph_emb = jnp.maximum(graph_emb @ W0.T + b0, 0.0)
    graph_emb = jnp.maximum(graph_emb @ W1.T + b1, 0.0)
    # final FC layer (no activation)
    pred = graph_emb @ W2.T + b2
    label = y
    return (pred, label)

if __name__ == "__main__":
    import jax
    _d = setup_inputs()
    print(jax.jit(kernel)(*tuple(_d.values())))

</pallas_src>

<mosaic_0001>
#map = affine_map<(d0, d1) -> (0, 0)>
#map1 = affine_map<(d0, d1) -> (0, 0, 0)>
module attributes {stable_mosaic.version = 14 : i64} {
  func.func @seg_kernel(%arg0: i32, %arg1: i32, %arg2: memref<100000x128xf32, #tpu.memory_space<hbm>>, %arg3: memref<32x41x32xi32, #tpu.memory_space<hbm>>, %arg4: memref<2x512x128xf32, #tpu.memory_space<hbm>>, %arg5: memref<4x32x128xf32, #tpu.memory_space<vmem>>, %arg6: memref<41x32xi32, #tpu.memory_space<vmem>>, %arg7: memref<32x128xf32, #tpu.memory_space<vmem>>, %arg8: memref<512x128xf32, #tpu.memory_space<vmem_shared>>, %arg9: memref<!tpu.dma_semaphore, #tpu.memory_space<semaphore_mem>>, %arg10: memref<!tpu.dma_semaphore, #tpu.memory_space<semaphore_mem>>, %arg11: memref<!tpu.dma_semaphore, #tpu.memory_space<semaphore_mem>>, %arg12: memref<!tpu.dma_semaphore, #tpu.memory_space<semaphore_mem>>, %arg13: memref<!tpu.dma_semaphore, #tpu.memory_space<semaphore_mem>>, %arg14: memref<!tpu.dma_semaphore, #tpu.memory_space<semaphore_mem>>, %arg15: memref<!tpu.dma_semaphore, #tpu.memory_space<semaphore_mem>>, %arg16: memref<!tpu.dma_semaphore, #tpu.memory_space<semaphore_mem>>) attributes {dimension_semantics = [#tpu.dimension_semantics<core_parallel>, #tpu.dimension_semantics<subcore_parallel>], iteration_bounds = array<i64: 2, 16>, scalar_prefetch = 0 : i64, scratch_operands = 12 : i64, tpu.core_type = #tpu.core_type<sc_vector_subcore>, window_params = [{transform_indices = #map}, {transform_indices = #map1}, {transform_indices = #map1}]} {
    %mul3A = arith.constant 2 : i32
    %mul3A_0 = arith.muli %arg1, %mul3A : i32
    %add3A = arith.addi %mul3A_0, %arg0 : i32
    %mul3A_1 = arith.constant 1312 : i32
    %mul3A_2 = arith.muli %add3A, %mul3A_1 : i32
    %add3A_3 = arith.constant 58016 : i32
    %add3A_4 = arith.addi %add3A_3, %mul3A_2 : i32
    %add3A_5 = arith.constant 0 : i32
    %add3A_6 = arith.addi %add3A_4, %add3A_5 : i32
    %dma_start3A = arith.constant 0 : i32
    %dma_start3A_7 = arith.constant 0 : i32
    %dma_start3A_8 = arith.constant 0 : i32
    %dma_start3A_9 = tpu.memref_slice %arg5[%dma_start3A, %dma_start3A_7, %dma_start3A_8] : memref<4x32x128xf32, #tpu.memory_space<vmem>> -> memref<1x32x128xf32, #tpu.memory_space<vmem>>
    %dma_start3A_10 = tpu.memref_squeeze %dma_start3A_9 : memref<1x32x128xf32, #tpu.memory_space<vmem>> -> memref<32x128xf32, #tpu.memory_space<vmem>>
    %dma_start3A_11 = arith.constant 0 : i32
    %dma_start3A_12 = tpu.memref_slice %arg2[%add3A_6, %dma_start3A_11] : memref<100000x128xf32, #tpu.memory_space<hbm>> -> memref<32x128xf32, #tpu.memory_space<hbm>>
    %dma_start3A_13 = arith.constant 0 : i32
    %dma_start3A_14 = arith.constant 0 : i32
    %dma_start3A_15 = tpu.memref_slice %arg5[%dma_start3A, %dma_start3A_13, %dma_start3A_14] : memref<4x32x128xf32, #tpu.memory_space<vmem>> -> memref<1x32x128xf32, #tpu.memory_space<vmem>>
    %dma_start3A_16 = tpu.memref_squeeze %dma_start3A_15 : memref<1x32x128xf32, #tpu.memory_space<vmem>> -> memref<32x128xf32, #tpu.memory_space<vmem>>
    %dma_start3A_17 = arith.constant 0 : i32
    %dma_start3A_18 = tpu.memref_slice %arg2[%add3A_6, %dma_start3A_17] : memref<100000x128xf32, #tpu.memory_space<hbm>> -> memref<32x128xf32, #tpu.memory_space<hbm>>
    tpu.enqueue_dma source(%dma_start3A_18 : memref<32x128xf32, #tpu.memory_space<hbm>>) target(%dma_start3A_16 : memref<32x128xf32, #tpu.memory_space<vmem>>) target_semaphore(%arg9 : memref<!tpu.dma_semaphore, #tpu.memory_space<semaphore_mem>>)
    %add3A_19 = arith.constant 32 : i32
    %add3A_20 = arith.addi %add3A_4, %add3A_19 : i32
    %dma_start3A_21 = arith.constant 1 : i32
    %dma_start3A_22 = arith.constant 0 : i32
    %dma_start3A_23 = arith.constant 0 : i32
    %dma_start3A_24 = tpu.memref_slice %arg5[%dma_start3A_21, %dma_start3A_22, %dma_start3A_23] : memref<4x32x128xf32, #tpu.memory_space<vmem>> -> memref<1x32x128xf32, #tpu.memory_space<vmem>>
    %dma_start3A_25 = tpu.memref_squeeze %dma_start3A_24 : memref<1x32x128xf32, #tpu.memory_space<vmem>> -> memref<32x128xf32, #tpu.memory_space<vmem>>
    %dma_start3A_26 = arith.constant 0 : i32
    %dma_start3A_27 = tpu.memref_slice %arg2[%add3A_20, %dma_start3A_26] : memref<100000x128xf32, #tpu.memory_space<hbm>> -> memref<32x128xf32, #tpu.memory_space<hbm>>
    %dma_start3A_28 = arith.constant 0 : i32
    %dma_start3A_29 = arith.constant 0 : i32
    %dma_start3A_30 = tpu.memref_slice %arg5[%dma_start3A_21, %dma_start3A_28, %dma_start3A_29] : memref<4x32x128xf32, #tpu.memory_space<vmem>> -> memref<1x32x128xf32, #tpu.memory_space<vmem>>
    %dma_start3A_31 = tpu.memref_squeeze %dma_start3A_30 : memref<1x32x128xf32, #tpu.memory_space<vmem>> -> memref<32x128xf32, #tpu.memory_space<vmem>>
    %dma_start3A_32 = arith.constant 0 : i32
    %dma_start3A_33 = tpu.memref_slice %arg2[%add3A_20, %dma_start3A_32] : memref<100000x128xf32, #tpu.memory_space<hbm>> -> memref<32x128xf32, #tpu.memory_space<hbm>>
    tpu.enqueue_dma source(%dma_start3A_33 : memref<32x128xf32, #tpu.memory_space<hbm>>) target(%dma_start3A_31 : memref<32x128xf32, #tpu.memory_space<vmem>>) target_semaphore(%arg10 : memref<!tpu.dma_semaphore, #tpu.memory_space<semaphore_mem>>)
    "tpu.region"() ({
      %run_scoped3A = tpu.sem_alloc : memref<!tpu.dma_semaphore, #tpu.memory_space<semaphore_mem>>
      %dma_start3A_53 = arith.constant 0 : i32
      %dma_start3A_54 = arith.constant 0 : i32
      %dma_start3A_55 = tpu.memref_slice %arg3[%add3A, %dma_start3A_53, %dma_start3A_54] : memref<32x41x32xi32, #tpu.memory_space<hbm>> -> memref<1x41x32xi32, #tpu.memory_space<hbm>>
      %dma_start3A_56 = tpu.memref_squeeze %dma_start3A_55 : memref<1x41x32xi32, #tpu.memory_space<hbm>> -> memref<41x32xi32, #tpu.memory_space<hbm>>
      %dma_start3A_57 = arith.constant 0 : i32
      %dma_start3A_58 = arith.constant 0 : i32
      %dma_start3A_59 = tpu.memref_slice %arg3[%add3A, %dma_start3A_57, %dma_start3A_58] : memref<32x41x32xi32, #tpu.memory_space<hbm>> -> memref<1x41x32xi32, #tpu.memory_space<hbm>>
      %dma_start3A_60 = tpu.memref_squeeze %dma_start3A_59 : memref<1x41x32xi32, #tpu.memory_space<hbm>> -> memref<41x32xi32, #tpu.memory_space<hbm>>
      tpu.enqueue_dma source(%dma_start3A_60 : memref<41x32xi32, #tpu.memory_space<hbm>>) target(%arg6 : memref<41x32xi32, #tpu.memory_space<vmem>>) target_semaphore(%run_scoped3A : memref<!tpu.dma_semaphore, #tpu.memory_space<semaphore_mem>>)
      %dma_wait3A = arith.constant 0 : i32
      %dma_wait3A_61 = arith.constant 0 : i32
      %dma_wait3A_62 = tpu.memref_slice %arg3[%add3A, %dma_wait3A, %dma_wait3A_61] : memref<32x41x32xi32, #tpu.memory_space<hbm>> -> memref<1x41x32xi32, #tpu.memory_space<hbm>>
      %dma_wait3A_63 = tpu.memref_squeeze %dma_wait3A_62 : memref<1x41x32xi32, #tpu.memory_space<hbm>> -> memref<41x32xi32, #tpu.memory_space<hbm>>
      %dma_wait3A_64 = arith.constant 0 : i32
      %dma_wait3A_65 = arith.constant 0 : i32
      %dma_wait3A_66 = tpu.memref_slice %arg3[%add3A, %dma_wait3A_64, %dma_wait3A_65] : memref<32x41x32xi32, #tpu.memory_space<hbm>> -> memref<1x41x32xi32, #tpu.memory_space<hbm>>
      %dma_wait3A_67 = tpu.memref_squeeze %dma_wait3A_66 : memref<1x41x32xi32, #tpu.memory_space<hbm>> -> memref<41x32xi32, #tpu.memory_space<hbm>>
      tpu.wait_dma2 semaphore(%run_scoped3A : memref<!tpu.dma_semaphore, #tpu.memory_space<semaphore_mem>>) src(%dma_wait3A_67 : memref<41x32xi32, #tpu.memory_space<hbm>>) dst(%arg6 : memref<41x32xi32, #tpu.memory_space<vmem>>)
      tpu.yield
    }) : () -> ()
    %broadcast_in_dim3A = arith.constant 0.000000e+00 : f32
    %broadcast_in_dim3A_34 = vector.broadcast %broadcast_in_dim3A : f32 to vector<16xf32>
    %scan3A = arith.constant 0 : i32
    %scan3A_35 = arith.constant 0 : i32
    %scan3A_36 = arith.constant 32 : i32
    %scan3A_37 = arith.addi %scan3A_35, %scan3A_36 : i32
    %scan3A_38 = arith.constant 1 : i32
    scf.for %scan3A_53 = %scan3A_35 to %scan3A_37 step %scan3A_38  : i32 {
      %swap3A = arith.index_cast %scan3A_53 : i32 to index
      %swap3A_54 = arith.constant 0 : index
      %swap3A_55 = tpu.vector_load %arg7[%swap3A, %swap3A_54] {strides = array<i32>} : memref<32x128xf32, #tpu.memory_space<vmem>>, vector<16xf32>,
      tpu.vector_store %arg7[%swap3A, %swap3A_54], %broadcast_in_dim3A_34 {strides = array<i32>} : memref<32x128xf32, #tpu.memory_space<vmem>>, vector<16xf32>,
      %swap3A_56 = arith.index_cast %scan3A_53 : i32 to index
      %swap3A_57 = arith.constant 16 : index
      %swap3A_58 = tpu.vector_load %arg7[%swap3A_56, %swap3A_57] {strides = array<i32>} : memref<32x128xf32, #tpu.memory_space<vmem>>, vector<16xf32>,
      tpu.vector_store %arg7[%swap3A_56, %swap3A_57], %broadcast_in_dim3A_34 {strides = array<i32>} : memref<32x128xf32, #tpu.memory_space<vmem>>, vector<16xf32>,
      %swap3A_59 = arith.index_cast %scan3A_53 : i32 to index
      %swap3A_60 = arith.constant 32 : index
      %swap3A_61 = tpu.vector_load %arg7[%swap3A_59, %swap3A_60] {strides = array<i32>} : memref<32x128xf32, #tpu.memory_space<vmem>>, vector<16xf32>,
      tpu.vector_store %arg7[%swap3A_59, %swap3A_60], %broadcast_in_dim3A_34 {strides = array<i32>} : memref<32x128xf32, #tpu.memory_space<vmem>>, vector<16xf32>,
      %swap3A_62 = arith.index_cast %scan3A_53 : i32 to index
      %swap3A_63 = arith.constant 48 : index
      %swap3A_64 = tpu.vector_load %arg7[%swap3A_62, %swap3A_63] {strides = array<i32>} : memref<32x128xf32, #tpu.memory_space<vmem>>, vector<16xf32>,
      tpu.vector_store %arg7[%swap3A_62, %swap3A_63], %broadcast_in_dim3A_34 {strides = array<i32>} : memref<32x128xf32, #tpu.memory_space<vmem>>, vector<16xf32>,
      %swap3A_65 = arith.index_cast %scan3A_53 : i32 to index
      %swap3A_66 = arith.constant 64 : index
      %swap3A_67 = tpu.vector_load %arg7[%swap3A_65, %swap3A_66] {strides = array<i32>} : memref<32x128xf32, #tpu.memory_space<vmem>>, vector<16xf32>,
      tpu.vector_store %arg7[%swap3A_65, %swap3A_66], %broadcast_in_dim3A_34 {strides = array<i32>} : memref<32x128xf32, #tpu.memory_space<vmem>>, vector<16xf32>,
      %swap3A_68 = arith.index_cast %scan3A_53 : i32 to index
      %swap3A_69 = arith.constant 80 : index
      %swap3A_70 = tpu.vector_load %arg7[%swap3A_68, %swap3A_69] {strides = array<i32>} : memref<32x128xf32, #tpu.memory_space<vmem>>, vector<16xf32>,
      tpu.vector_store %arg7[%swap3A_68, %swap3A_69], %broadcast_in_dim3A_34 {strides = array<i32>} : memref<32x128xf32, #tpu.memory_space<vmem>>, vector<16xf32>,
      %swap3A_71 = arith.index_cast %scan3A_53 : i32 to index
      %swap3A_72 = arith.constant 96 : index
      %swap3A_73 = tpu.vector_load %arg7[%swap3A_71, %swap3A_72] {strides = array<i32>} : memref<32x128xf32, #tpu.memory_space<vmem>>, vector<16xf32>,
      tpu.vector_store %arg7[%swap3A_71, %swap3A_72], %broadcast_in_dim3A_34 {strides = array<i32>} : memref<32x128xf32, #tpu.memory_space<vmem>>, vector<16xf32>,
      %swap3A_74 = arith.index_cast %scan3A_53 : i32 to index
      %swap3A_75 = arith.constant 112 : index
      %swap3A_76 = tpu.vector_load %arg7[%swap3A_74, %swap3A_75] {strides = array<i32>} : memref<32x128xf32, #tpu.memory_space<vmem>>, vector<16xf32>,
      tpu.vector_store %arg7[%swap3A_74, %swap3A_75], %broadcast_in_dim3A_34 {strides = array<i32>} : memref<32x128xf32, #tpu.memory_space<vmem>>, vector<16xf32>,
    }
    %scan3A_39 = arith.constant 32 : i32
    %mul3A_40 = arith.constant 32 : i32
    %mul3A_41 = arith.muli %arg1, %mul3A_40 : i32
    "tpu.region"() ({
      %run_scoped3A = tpu.sem_alloc : memref<!tpu.dma_semaphore, #tpu.memory_space<semaphore_mem>>
      %dma_start3A_53 = arith.constant 0 : i32
      %dma_start3A_54 = tpu.memref_slice %arg8[%mul3A_41, %dma_start3A_53] : memref<512x128xf32, #tpu.memory_space<vmem_shared>> -> memref<32x128xf32, #tpu.memory_space<vmem_shared>>
      %dma_start3A_55 = arith.constant 0 : i32
      %dma_start3A_56 = tpu.memref_slice %arg8[%mul3A_41, %dma_start3A_55] : memref<512x128xf32, #tpu.memory_space<vmem_shared>> -> memref<32x128xf32, #tpu.memory_space<vmem_shared>>
      tpu.enqueue_dma source(%arg7 : memref<32x128xf32, #tpu.memory_space<vmem>>) target(%dma_start3A_56 : memref<32x128xf32, #tpu.memory_space<vmem_shared>>) target_semaphore(%run_scoped3A : memref<!tpu.dma_semaphore, #tpu.memory_space<semaphore_mem>>)
      %dma_wait3A = arith.constant 0 : i32
      %dma_wait3A_57 = tpu.memref_slice %arg8[%mul3A_41, %dma_wait3A] : memref<512x128xf32, #tpu.memory_space<vmem_shared>> -> memref<32x128xf32, #tpu.memory_space<vmem_shared>>
      %dma_wait3A_58 = arith.constant 0 : i32
      %dma_wait3A_59 = tpu.memref_slice %arg8[%mul3A_41, %dma_wait3A_58] : memref<512x128xf32, #tpu.memory_space<vmem_shared>> -> memref<32x128xf32, #tpu.memory_space<vmem_shared>>
      tpu.wait_dma2 semaphore(%run_scoped3A : memref<!tpu.dma_semaphore, #tpu.memory_space<semaphore_mem>>) src(%arg7 : memref<32x128xf32, #tpu.memory_space<vmem>>) dst(%dma_wait3A_59 : memref<32x128xf32, #tpu.memory_space<vmem_shared>>)
      tpu.yield
    }) : () -> ()
    %barrier3A = arith.constant 0 : index
    tpu.barrier barrier_id(%barrier3A)
    %scan3A_42 = arith.constant 0 : i32
    %scan3A_43 = arith.constant 0 : i32
    %scan3A_44 = arith.constant 11 : i32
    %scan3A_45 = arith.addi %scan3A_43, %scan3A_44 : i32
    %scan3A_46 = arith.constant 1 : i32
    scf.for %scan3A_53 = %scan3A_43 to %scan3A_45 step %scan3A_46  : i32 {
      %mul3A_54 = arith.constant 4 : i32
      %mul3A_55 = arith.muli %mul3A_54, %scan3A_53 : i32
      %add3A_56 = arith.constant 0 : i32
      %add3A_57 = arith.addi %mul3A_55, %add3A_56 : i32
      %lt3A = arith.constant 41 : i32
      %lt3A_58 = arith.cmpi slt, %add3A_57, %lt3A : i32
      %convert_element_type3A = arith.extui %lt3A_58 : i1 to i32
      %cond3A = arith.constant 0 : i32
      %cond3A_59 = arith.cmpi ne, %convert_element_type3A, %cond3A : i32
      scf.if %cond3A_59 {
        %mul3A_146 = arith.constant 32 : i32
        %mul3A_147 = arith.muli %add3A_57, %mul3A_146 : i32
        %add3A_148 = arith.addi %add3A_4, %mul3A_147 : i32
        %dma_wait3A = arith.constant 0 : i32
        %dma_wait3A_149 = arith.constant 0 : i32
        %dma_wait3A_150 = arith.constant 0 : i32
        %dma_wait3A_151 = tpu.memref_slice %arg5[%dma_wait3A, %dma_wait3A_149, %dma_wait3A_150] : memref<4x32x128xf32, #tpu.memory_space<vmem>> -> memref<1x32x128xf32, #tpu.memory_space<vmem>>
        %dma_wait3A_152 = tpu.memref_squeeze %dma_wait3A_151 : memref<1x32x128xf32, #tpu.memory_space<vmem>> -> memref<32x128xf32, #tpu.memory_space<vmem>>
        %dma_wait3A_153 = arith.constant 0 : i32
        %dma_wait3A_154 = tpu.memref_slice %arg2[%add3A_148, %dma_wait3A_153] : memref<100000x128xf32, #tpu.memory_space<hbm>> -> memref<32x128xf32, #tpu.memory_space<hbm>>
        %dma_wait3A_155 = arith.constant 0 : i32
        %dma_wait3A_156 = arith.constant 0 : i32
        %dma_wait3A_157 = tpu.memref_slice %arg5[%dma_wait3A, %dma_wait3A_155, %dma_wait3A_156] : memref<4x32x128xf32, #tpu.memory_space<vmem>> -> memref<1x32x128xf32, #tpu.memory_space<vmem>>
        %dma_wait3A_158 = tpu.memref_squeeze %dma_wait3A_157 : memref<1x32x128xf32, #tpu.memory_space<vmem>> -> memref<32x128xf32, #tpu.memory_space<vmem>>
        %dma_wait3A_159 = arith.constant 0 : i32
        %dma_wait3A_160 = tpu.memref_slice %arg2[%add3A_148, %dma_wait3A_159] : memref<100000x128xf32, #tpu.memory_space<hbm>> -> memref<32x128xf32, #tpu.memory_space<hbm>>
        tpu.wait_dma2 semaphore(%arg9 : memref<!tpu.dma_semaphore, #tpu.memory_space<semaphore_mem>>) src(%dma_wait3A_160 : memref<32x128xf32, #tpu.memory_space<hbm>>) dst(%dma_wait3A_158 : memref<32x128xf32, #tpu.memory_space<vmem>>)
        %dma_start3A_161 = arith.constant 0 : i32
        %dma_start3A_162 = arith.constant 0 : i32
        %dma_start3A_163 = arith.constant 0 : i32
        %dma_start3A_164 = tpu.memref_slice %arg5[%dma_start3A_161, %dma_start3A_162, %dma_start3A_163] : memref<4x32x128xf32, #tpu.memory_space<vmem>> -> memref<1x32x128xf32, #tpu.memory_space<vmem>>
        %dma_start3A_165 = tpu.memref_squeeze %dma_start3A_164 : memref<1x32x128xf32, #tpu.memory_space<vmem>> -> memref<32x128xf32, #tpu.memory_space<vmem>>
        %dma_start3A_166 = arith.constant 0 : i32
        %dma_start3A_167 = tpu.memref_slice %arg6[%add3A_57, %dma_start3A_166] : memref<41x32xi32, #tpu.memory_space<vmem>> -> memref<1x32xi32, #tpu.memory_space<vmem>>
        %dma_start3A_168 = tpu.memref_squeeze %dma_start3A_167 : memref<1x32xi32, #tpu.memory_space<vmem>> -> memref<32xi32, #tpu.memory_space<vmem>>
        %dma_start3A_169 = arith.constant 0 : i32
        %dma_start3A_170 = arith.constant 0 : i32
        %dma_start3A_171 = tpu.memref_slice %arg8[%dma_start3A_169, %dma_start3A_170] : memref<512x128xf32, #tpu.memory_space<vmem_shared>> -> memref<512x128xf32, #tpu.memory_space<vmem_shared>>
        tpu.enqueue_indirect_dma source(%dma_start3A_165 : memref<32x128xf32, #tpu.memory_space<vmem>>) target(%dma_start3A_171 : memref<512x128xf32, #tpu.memory_space<vmem_shared>>) offsets(%dma_start3A_168 : memref<32xi32, #tpu.memory_space<vmem>>) semaphore(%arg13 : memref<!tpu.dma_semaphore, #tpu.memory_space<semaphore_mem>>) {add = true}
      } else {
      }
      %ge3A = arith.constant 2 : i32
      %ge3A_60 = arith.cmpi sge, %add3A_57, %ge3A : i32
      %sub3A = arith.constant 2 : i32
      %sub3A_61 = arith.subi %add3A_57, %sub3A : i32
      %lt3A_62 = arith.constant 41 : i32
      %lt3A_63 = arith.cmpi slt, %sub3A_61, %lt3A_62 : i32
      %and3A = arith.andi %ge3A_60, %lt3A_63 : i1
      %convert_element_type3A_64 = arith.extui %and3A : i1 to i32
      %cond3A_65 = arith.constant 0 : i32
      %cond3A_66 = arith.cmpi ne, %convert_element_type3A_64, %cond3A_65 : i32
      scf.if %cond3A_66 {
        %sub3A_146 = arith.constant 2 : i32
        %sub3A_147 = arith.subi %add3A_57, %sub3A_146 : i32
        %dma_wait3A = arith.constant 2 : i32
        %dma_wait3A_148 = arith.constant 0 : i32
        %dma_wait3A_149 = arith.constant 0 : i32
        %dma_wait3A_150 = tpu.memref_slice %arg5[%dma_wait3A, %dma_wait3A_148, %dma_wait3A_149] : memref<4x32x128xf32, #tpu.memory_space<vmem>> -> memref<1x32x128xf32, #tpu.memory_space<vmem>>
        %dma_wait3A_151 = tpu.memref_squeeze %dma_wait3A_150 : memref<1x32x128xf32, #tpu.memory_space<vmem>> -> memref<32x128xf32, #tpu.memory_space<vmem>>
        %dma_wait3A_152 = arith.constant 0 : i32
        %dma_wait3A_153 = tpu.memref_slice %arg6[%sub3A_147, %dma_wait3A_152] : memref<41x32xi32, #tpu.memory_space<vmem>> -> memref<1x32xi32, #tpu.memory_space<vmem>>
        %dma_wait3A_154 = tpu.memref_squeeze %dma_wait3A_153 : memref<1x32xi32, #tpu.memory_space<vmem>> -> memref<32xi32, #tpu.memory_space<vmem>>
        %dma_wait3A_155 = arith.constant 0 : i32
        %dma_wait3A_156 = arith.constant 0 : i32
        %dma_wait3A_157 = tpu.memref_slice %arg8[%dma_wait3A_155, %dma_wait3A_156] : memref<512x128xf32, #tpu.memory_space<vmem_shared>> -> memref<512x128xf32, #tpu.memory_space<vmem_shared>>
        tpu.wait_indirect_dma semaphore(%arg15 : memref<!tpu.dma_semaphore, #tpu.memory_space<semaphore_mem>>) src(%dma_wait3A_151 : memref<32x128xf32, #tpu.memory_space<vmem>>) dst(%dma_wait3A_157 : memref<512x128xf32, #tpu.memory_space<vmem_shared>>)
      } else {
      }
      %add3A_67 = arith.constant 2 : i32
      %add3A_68 = arith.addi %add3A_57, %add3A_67 : i32
      %lt3A_69 = arith.constant 41 : i32
      %lt3A_70 = arith.cmpi slt, %add3A_68, %lt3A_69 : i32
      %convert_element_type3A_71 = arith.extui %lt3A_70 : i1 to i32
      %cond3A_72 = arith.constant 0 : i32
      %cond3A_73 = arith.cmpi ne, %convert_element_type3A_71, %cond3A_72 : i32
      scf.if %cond3A_73 {
        %add3A_146 = arith.constant 2 : i32
        %add3A_147 = arith.addi %add3A_57, %add3A_146 : i32
        %mul3A_148 = arith.constant 32 : i32
        %mul3A_149 = arith.muli %add3A_147, %mul3A_148 : i32
        %add3A_150 = arith.addi %add3A_4, %mul3A_149 : i32
        %dma_start3A_151 = arith.constant 2 : i32
        %dma_start3A_152 = arith.constant 0 : i32
        %dma_start3A_153 = arith.constant 0 : i32
        %dma_start3A_154 = tpu.memref_slice %arg5[%dma_start3A_151, %dma_start3A_152, %dma_start3A_153] : memref<4x32x128xf32, #tpu.memory_space<vmem>> -> memref<1x32x128xf32, #tpu.memory_space<vmem>>
        %dma_start3A_155 = tpu.memref_squeeze %dma_start3A_154 : memref<1x32x128xf32, #tpu.memory_space<vmem>> -> memref<32x128xf32, #tpu.memory_space<vmem>>
        %dma_start3A_156 = arith.constant 0 : i32
        %dma_start3A_157 = tpu.memref_slice %arg2[%add3A_150, %dma_start3A_156] : memref<100000x128xf32, #tpu.memory_space<hbm>> -> memref<32x128xf32, #tpu.memory_space<hbm>>
        %dma_start3A_158 = arith.constant 0 : i32
        %dma_start3A_159 = arith.constant 0 : i32
        %dma_start3A_160 = tpu.memref_slice %arg5[%dma_start3A_151, %dma_start3A_158, %dma_start3A_159] : memref<4x32x128xf32, #tpu.memory_space<vmem>> -> memref<1x32x128xf32, #tpu.memory_space<vmem>>
        %dma_start3A_161 = tpu.memref_squeeze %dma_start3A_160 : memref<1x32x128xf32, #tpu.memory_space<vmem>> -> memref<32x128xf32, #tpu.memory_space<vmem>>
        %dma_start3A_162 = arith.constant 0 : i32
        %dma_start3A_163 = tpu.memref_slice %arg2[%add3A_150, %dma_start3A_162] : memref<100000x128xf32, #tpu.memory_space<hbm>> -> memref<32x128xf32, #tpu.memory_space<hbm>>
        tpu.enqueue_dma source(%dma_start3A_163 : memref<32x128xf32, #tpu.memory_space<hbm>>) target(%dma_start3A_161 : memref<32x128xf32, #tpu.memory_space<vmem>>) target_semaphore(%arg11 : memref<!tpu.dma_semaphore, #tpu.memory_space<semaphore_mem>>)
      } else {
      }
      %mul3A_74 = arith.constant 4 : i32
      %mul3A_75 = arith.muli %mul3A_74, %scan3A_53 : i32
      %add3A_76 = arith.constant 1 : i32
      %add3A_77 = arith.addi %mul3A_75, %add3A_76 : i32
      %lt3A_78 = arith.constant 41 : i32
      %lt3A_79 = arith.cmpi slt, %add3A_77, %lt3A_78 : i32
      %convert_element_type3A_80 = arith.extui %lt3A_79 : i1 to i32
      %cond3A_81 = arith.constant 0 : i32
      %cond3A_82 = arith.cmpi ne, %convert_element_type3A_80, %cond3A_81 : i32
      scf.if %cond3A_82 {
        %mul3A_146 = arith.constant 32 : i32
        %mul3A_147 = arith.muli %add3A_77, %mul3A_146 : i32
        %add3A_148 = arith.addi %add3A_4, %mul3A_147 : i32
        %dma_wait3A = arith.constant 1 : i32
        %dma_wait3A_149 = arith.constant 0 : i32
        %dma_wait3A_150 = arith.constant 0 : i32
        %dma_wait3A_151 = tpu.memref_slice %arg5[%dma_wait3A, %dma_wait3A_149, %dma_wait3A_150] : memref<4x32x128xf32, #tpu.memory_space<vmem>> -> memref<1x32x128xf32, #tpu.memory_space<vmem>>
        %dma_wait3A_152 = tpu.memref_squeeze %dma_wait3A_151 : memref<1x32x128xf32, #tpu.memory_space<vmem>> -> memref<32x128xf32, #tpu.memory_space<vmem>>
        %dma_wait3A_153 = arith.constant 0 : i32
        %dma_wait3A_154 = tpu.memref_slice %arg2[%add3A_148, %dma_wait3A_153] : memref<100000x128xf32, #tpu.memory_space<hbm>> -> memref<32x128xf32, #tpu.memory_space<hbm>>
        %dma_wait3A_155 = arith.constant 0 : i32
        %dma_wait3A_156 = arith.constant 0 : i32
        %dma_wait3A_157 = tpu.memref_slice %arg5[%dma_wait3A, %dma_wait3A_155, %dma_wait3A_156] : memref<4x32x128xf32, #tpu.memory_space<vmem>> -> memref<1x32x128xf32, #tpu.memory_space<vmem>>
        %dma_wait3A_158 = tpu.memref_squeeze %dma_wait3A_157 : memref<1x32x128xf32, #tpu.memory_space<vmem>> -> memref<32x128xf32, #tpu.memory_space<vmem>>
        %dma_wait3A_159 = arith.constant 0 : i32
        %dma_wait3A_160 = tpu.memref_slice %arg2[%add3A_148, %dma_wait3A_159] : memref<100000x128xf32, #tpu.memory_space<hbm>> -> memref<32x128xf32, #tpu.memory_space<hbm>>
        tpu.wait_dma2 semaphore(%arg10 : memref<!tpu.dma_semaphore, #tpu.memory_space<semaphore_mem>>) src(%dma_wait3A_160 : memref<32x128xf32, #tpu.memory_space<hbm>>) dst(%dma_wait3A_158 : memref<32x128xf32, #tpu.memory_space<vmem>>)
        %dma_start3A_161 = arith.constant 1 : i32
        %dma_start3A_162 = arith.constant 0 : i32
        %dma_start3A_163 = arith.constant 0 : i32
        %dma_start3A_164 = tpu.memref_slice %arg5[%dma_start3A_161, %dma_start3A_162, %dma_start3A_163] : memref<4x32x128xf32, #tpu.memory_space<vmem>> -> memref<1x32x128xf32, #tpu.memory_space<vmem>>
        %dma_start3A_165 = tpu.memref_squeeze %dma_start3A_164 : memref<1x32x128xf32, #tpu.memory_space<vmem>> -> memref<32x128xf32, #tpu.memory_space<vmem>>
        %dma_start3A_166 = arith.constant 0 : i32
        %dma_start3A_167 = tpu.memref_slice %arg6[%add3A_77, %dma_start3A_166] : memref<41x32xi32, #tpu.memory_space<vmem>> -> memref<1x32xi32, #tpu.memory_space<vmem>>
        %dma_start3A_168 = tpu.memref_squeeze %dma_start3A_167 : memref<1x32xi32, #tpu.memory_space<vmem>> -> memref<32xi32, #tpu.memory_space<vmem>>
        %dma_start3A_169 = arith.constant 0 : i32
        %dma_start3A_170 = arith.constant 0 : i32
        %dma_start3A_171 = tpu.memref_slice %arg8[%dma_start3A_169, %dma_start3A_170] : memref<512x128xf32, #tpu.memory_space<vmem_shared>> -> memref<512x128xf32, #tpu.memory_space<vmem_shared>>
        tpu.enqueue_indirect_dma source(%dma_start3A_165 : memref<32x128xf32, #tpu.memory_space<vmem>>) target(%dma_start3A_171 : memref<512x128xf32, #tpu.memory_space<vmem_shared>>) offsets(%dma_start3A_168 : memref<32xi32, #tpu.memory_space<vmem>>) semaphore(%arg14 : memref<!tpu.dma_semaphore, #tpu.memory_space<semaphore_mem>>) {add = true}
      } else {
      }
      %ge3A_83 = arith.constant 2 : i32
      %ge3A_84 = arith.cmpi sge, %add3A_77, %ge3A_83 : i32
      %sub3A_85 = arith.constant 2 : i32
      %sub3A_86 = arith.subi %add3A_77, %sub3A_85 : i32
      %lt3A_87 = arith.constant 41 : i32
      %lt3A_88 = arith.cmpi slt, %sub3A_86, %lt3A_87 : i32
      %and3A_89 = arith.andi %ge3A_84, %lt3A_88 : i1
      %convert_element_type3A_90 = arith.extui %and3A_89 : i1 to i32
      %cond3A_91 = arith.constant 0 : i32
      %cond3A_92 = arith.cmpi ne, %convert_element_type3A_90, %cond3A_91 : i32
      scf.if %cond3A_92 {
        %sub3A_146 = arith.constant 2 : i32
        %sub3A_147 = arith.subi %add3A_77, %sub3A_146 : i32
        %dma_wait3A = arith.constant 3 : i32
        %dma_wait3A_148 = arith.constant 0 : i32
        %dma_wait3A_149 = arith.constant 0 : i32
        %dma_wait3A_150 = tpu.memref_slice %arg5[%dma_wait3A, %dma_wait3A_148, %dma_wait3A_149] : memref<4x32x128xf32, #tpu.memory_space<vmem>> -> memref<1x32x128xf32, #tpu.memory_space<vmem>>
        %dma_wait3A_151 = tpu.memref_squeeze %dma_wait3A_150 : memref<1x32x128xf32, #tpu.memory_space<vmem>> -> memref<32x128xf32, #tpu.memory_space<vmem>>
        %dma_wait3A_152 = arith.constant 0 : i32
        %dma_wait3A_153 = tpu.memref_slice %arg6[%sub3A_147, %dma_wait3A_152] : memref<41x32xi32, #tpu.memory_space<vmem>> -> memref<1x32xi32, #tpu.memory_space<vmem>>
        %dma_wait3A_154 = tpu.memref_squeeze %dma_wait3A_153 : memref<1x32xi32, #tpu.memory_space<vmem>> -> memref<32xi32, #tpu.memory_space<vmem>>
        %dma_wait3A_155 = arith.constant 0 : i32
        %dma_wait3A_156 = arith.constant 0 : i32
        %dma_wait3A_157 = tpu.memref_slice %arg8[%dma_wait3A_155, %dma_wait3A_156] : memref<512x128xf32, #tpu.memory_space<vmem_shared>> -> memref<512x128xf32, #tpu.memory_space<vmem_shared>>
        tpu.wait_indirect_dma semaphore(%arg16 : memref<!tpu.dma_semaphore, #tpu.memory_space<semaphore_mem>>) src(%dma_wait3A_151 : memref<32x128xf32, #tpu.memory_space<vmem>>) dst(%dma_wait3A_157 : memref<512x128xf32, #tpu.memory_space<vmem_shared>>)
      } else {
      }
      %add3A_93 = arith.constant 2 : i32
      %add3A_94 = arith.addi %add3A_77, %add3A_93 : i32
      %lt3A_95 = arith.constant 41 : i32
      %lt3A_96 = arith.cmpi slt, %add3A_94, %lt3A_95 : i32
      %convert_element_type3A_97 = arith.extui %lt3A_96 : i1 to i32
      %cond3A_98 = arith.constant 0 : i32
      %cond3A_99 = arith.cmpi ne, %convert_element_type3A_97, %cond3A_98 : i32
      scf.if %cond3A_99 {
        %add3A_146 = arith.constant 2 : i32
        %add3A_147 = arith.addi %add3A_77, %add3A_146 : i32
        %mul3A_148 = arith.constant 32 : i32
        %mul3A_149 = arith.muli %add3A_147, %mul3A_148 : i32
        %add3A_150 = arith.addi %add3A_4, %mul3A_149 : i32
        %dma_start3A_151 = arith.constant 3 : i32
        %dma_start3A_152 = arith.constant 0 : i32
        %dma_start3A_153 = arith.constant 0 : i32
        %dma_start3A_154 = tpu.memref_slice %arg5[%dma_start3A_151, %dma_start3A_152, %dma_start3A_153] : memref<4x32x128xf32, #tpu.memory_space<vmem>> -> memref<1x32x128xf32, #tpu.memory_space<vmem>>
        %dma_start3A_155 = tpu.memref_squeeze %dma_start3A_154 : memref<1x32x128xf32, #tpu.memory_space<vmem>> -> memref<32x128xf32, #tpu.memory_space<vmem>>
        %dma_start3A_156 = arith.constant 0 : i32
        %dma_start3A_157 = tpu.memref_slice %arg2[%add3A_150, %dma_start3A_156] : memref<100000x128xf32, #tpu.memory_space<hbm>> -> memref<32x128xf32, #tpu.memory_space<hbm>>
        %dma_start3A_158 = arith.constant 0 : i32
        %dma_start3A_159 = arith.constant 0 : i32
        %dma_start3A_160 = tpu.memref_slice %arg5[%dma_start3A_151, %dma_start3A_158, %dma_start3A_159] : memref<4x32x128xf32, #tpu.memory_space<vmem>> -> memref<1x32x128xf32, #tpu.memory_space<vmem>>
        %dma_start3A_161 = tpu.memref_squeeze %dma_start3A_160 : memref<1x32x128xf32, #tpu.memory_space<vmem>> -> memref<32x128xf32, #tpu.memory_space<vmem>>
        %dma_start3A_162 = arith.constant 0 : i32
        %dma_start3A_163 = tpu.memref_slice %arg2[%add3A_150, %dma_start3A_162] : memref<100000x128xf32, #tpu.memory_space<hbm>> -> memref<32x128xf32, #tpu.memory_space<hbm>>
        tpu.enqueue_dma source(%dma_start3A_163 : memref<32x128xf32, #tpu.memory_space<hbm>>) target(%dma_start3A_161 : memref<32x128xf32, #tpu.memory_space<vmem>>) target_semaphore(%arg12 : memref<!tpu.dma_semaphore, #tpu.memory_space<semaphore_mem>>)
      } else {
      }
      %mul3A_100 = arith.constant 4 : i32
      %mul3A_101 = arith.muli %mul3A_100, %scan3A_53 : i32
      %add3A_102 = arith.constant 2 : i32
      %add3A_103 = arith.addi %mul3A_101, %add3A_102 : i32
      %lt3A_104 = arith.constant 41 : i32
      %lt3A_105 = arith.cmpi slt, %add3A_103, %lt3A_104 : i32
      %convert_element_type3A_106 = arith.extui %lt3A_105 : i1 to i32
      %cond3A_107 = arith.constant 0 : i32
      %cond3A_108 = arith.cmpi ne, %convert_element_type3A_106, %cond3A_107 : i32
      scf.if %cond3A_108 {
        %mul3A_146 = arith.constant 32 : i32
        %mul3A_147 = arith.muli %add3A_103, %mul3A_146 : i32
        %add3A_148 = arith.addi %add3A_4, %mul3A_147 : i32
        %dma_wait3A = arith.constant 2 : i32
        %dma_wait3A_149 = arith.constant 0 : i32
        %dma_wait3A_150 = arith.constant 0 : i32
        %dma_wait3A_151 = tpu.memref_slice %arg5[%dma_wait3A, %dma_wait3A_149, %dma_wait3A_150] : memref<4x32x128xf32, #tpu.memory_space<vmem>> -> memref<1x32x128xf32, #tpu.memory_space<vmem>>
        %dma_wait3A_152 = tpu.memref_squeeze %dma_wait3A_151 : memref<1x32x128xf32, #tpu.memory_space<vmem>> -> memref<32x128xf32, #tpu.memory_space<vmem>>
        %dma_wait3A_153 = arith.constant 0 : i32
        %dma_wait3A_154 = tpu.memref_slice %arg2[%add3A_148, %dma_wait3A_153] : memref<100000x128xf32, #tpu.memory_space<hbm>> -> memref<32x128xf32, #tpu.memory_space<hbm>>
        %dma_wait3A_155 = arith.constant 0 : i32
        %dma_wait3A_156 = arith.constant 0 : i32
        %dma_wait3A_157 = tpu.memref_slice %arg5[%dma_wait3A, %dma_wait3A_155, %dma_wait3A_156] : memref<4x32x128xf32, #tpu.memory_space<vmem>> -> memref<1x32x128xf32, #tpu.memory_space<vmem>>
        %dma_wait3A_158 = tpu.memref_squeeze %dma_wait3A_157 : memref<1x32x128xf32, #tpu.memory_space<vmem>> -> memref<32x128xf32, #tpu.memory_space<vmem>>
        %dma_wait3A_159 = arith.constant 0 : i32
        %dma_wait3A_160 = tpu.memref_slice %arg2[%add3A_148, %dma_wait3A_159] : memref<100000x128xf32, #tpu.memory_space<hbm>> -> memref<32x128xf32, #tpu.memory_space<hbm>>
        tpu.wait_dma2 semaphore(%arg11 : memref<!tpu.dma_semaphore, #tpu.memory_space<semaphore_mem>>) src(%dma_wait3A_160 : memref<32x128xf32, #tpu.memory_space<hbm>>) dst(%dma_wait3A_158 : memref<32x128xf32, #tpu.memory_space<vmem>>)
        %dma_start3A_161 = arith.constant 2 : i32
        %dma_start3A_162 = arith.constant 0 : i32
        %dma_start3A_163 = arith.constant 0 : i32
        %dma_start3A_164 = tpu.memref_slice %arg5[%dma_start3A_161, %dma_start3A_162, %dma_start3A_163] : memref<4x32x128xf32, #tpu.memory_space<vmem>> -> memref<1x32x128xf32, #tpu.memory_space<vmem>>
        %dma_start3A_165 = tpu.memref_squeeze %dma_start3A_164 : memref<1x32x128xf32, #tpu.memory_space<vmem>> -> memref<32x128xf32, #tpu.memory_space<vmem>>
        %dma_start3A_166 = arith.constant 0 : i32
        %dma_start3A_167 = tpu.memref_slice %arg6[%add3A_103, %dma_start3A_166] : memref<41x32xi32, #tpu.memory_space<vmem>> -> memref<1x32xi32, #tpu.memory_space<vmem>>
        %dma_start3A_168 = tpu.memref_squeeze %dma_start3A_167 : memref<1x32xi32, #tpu.memory_space<vmem>> -> memref<32xi32, #tpu.memory_space<vmem>>
        %dma_start3A_169 = arith.constant 0 : i32
        %dma_start3A_170 = arith.constant 0 : i32
        %dma_start3A_171 = tpu.memref_slice %arg8[%dma_start3A_169, %dma_start3A_170] : memref<512x128xf32, #tpu.memory_space<vmem_shared>> -> memref<512x128xf32, #tpu.memory_space<vmem_shared>>
        tpu.enqueue_indirect_dma source(%dma_start3A_165 : memref<32x128xf32, #tpu.memory_space<vmem>>) target(%dma_start3A_171 : memref<512x128xf32, #tpu.memory_space<vmem_shared>>) offsets(%dma_start3A_168 : memref<32xi32, #tpu.memory_space<vmem>>) semaphore(%arg15 : memref<!tpu.dma_semaphore, #tpu.memory_space<semaphore_mem>>) {add = true}
      } else {
      }
      %sub3A_109 = arith.constant 2 : i32
      %sub3A_110 = arith.subi %add3A_103, %sub3A_109 : i32
      %lt3A_111 = arith.constant 41 : i32
      %lt3A_112 = arith.cmpi slt, %sub3A_110, %lt3A_111 : i32
      %convert_element_type3A_113 = arith.extui %lt3A_112 : i1 to i32
      %cond3A_114 = arith.constant 0 : i32
      %cond3A_115 = arith.cmpi ne, %convert_element_type3A_113, %cond3A_114 : i32
      scf.if %cond3A_115 {
        %sub3A_146 = arith.constant 2 : i32
        %sub3A_147 = arith.subi %add3A_103, %sub3A_146 : i32
        %dma_wait3A = arith.constant 0 : i32
        %dma_wait3A_148 = arith.constant 0 : i32
        %dma_wait3A_149 = arith.constant 0 : i32
        %dma_wait3A_150 = tpu.memref_slice %arg5[%dma_wait3A, %dma_wait3A_148, %dma_wait3A_149] : memref<4x32x128xf32, #tpu.memory_space<vmem>> -> memref<1x32x128xf32, #tpu.memory_space<vmem>>
        %dma_wait3A_151 = tpu.memref_squeeze %dma_wait3A_150 : memref<1x32x128xf32, #tpu.memory_space<vmem>> -> memref<32x128xf32, #tpu.memory_space<vmem>>
        %dma_wait3A_152 = arith.constant 0 : i32
        %dma_wait3A_153 = tpu.memref_slice %arg6[%sub3A_147, %dma_wait3A_152] : memref<41x32xi32, #tpu.memory_space<vmem>> -> memref<1x32xi32, #tpu.memory_space<vmem>>
        %dma_wait3A_154 = tpu.memref_squeeze %dma_wait3A_153 : memref<1x32xi32, #tpu.memory_space<vmem>> -> memref<32xi32, #tpu.memory_space<vmem>>
        %dma_wait3A_155 = arith.constant 0 : i32
        %dma_wait3A_156 = arith.constant 0 : i32
        %dma_wait3A_157 = tpu.memref_slice %arg8[%dma_wait3A_155, %dma_wait3A_156] : memref<512x128xf32, #tpu.memory_space<vmem_shared>> -> memref<512x128xf32, #tpu.memory_space<vmem_shared>>
        tpu.wait_indirect_dma semaphore(%arg13 : memref<!tpu.dma_semaphore, #tpu.memory_space<semaphore_mem>>) src(%dma_wait3A_151 : memref<32x128xf32, #tpu.memory_space<vmem>>) dst(%dma_wait3A_157 : memref<512x128xf32, #tpu.memory_space<vmem_shared>>)
      } else {
      }
      %add3A_116 = arith.constant 2 : i32
      %add3A_117 = arith.addi %add3A_103, %add3A_116 : i32
      %lt3A_118 = arith.constant 41 : i32
      %lt3A_119 = arith.cmpi slt, %add3A_117, %lt3A_118 : i32
      %convert_element_type3A_120 = arith.extui %lt3A_119 : i1 to i32
      %cond3A_121 = arith.constant 0 : i32
      %cond3A_122 = arith.cmpi ne, %convert_element_type3A_120, %cond3A_121 : i32
      scf.if %cond3A_122 {
        %add3A_146 = arith.constant 2 : i32
        %add3A_147 = arith.addi %add3A_103, %add3A_146 : i32
        %mul3A_148 = arith.constant 32 : i32
        %mul3A_149 = arith.muli %add3A_147, %mul3A_148 : i32
        %add3A_150 = arith.addi %add3A_4, %mul3A_149 : i32
        %dma_start3A_151 = arith.constant 0 : i32
        %dma_start3A_152 = arith.constant 0 : i32
        %dma_start3A_153 = arith.constant 0 : i32
        %dma_start3A_154 = tpu.memref_slice %arg5[%dma_start3A_151, %dma_start3A_152, %dma_start3A_153] : memref<4x32x128xf32, #tpu.memory_space<vmem>> -> memref<1x32x128xf32, #tpu.memory_space<vmem>>
        %dma_start3A_155 = tpu.memref_squeeze %dma_start3A_154 : memref<1x32x128xf32, #tpu.memory_space<vmem>> -> memref<32x128xf32, #tpu.memory_space<vmem>>
        %dma_start3A_156 = arith.constant 0 : i32
        %dma_start3A_157 = tpu.memref_slice %arg2[%add3A_150, %dma_start3A_156] : memref<100000x128xf32, #tpu.memory_space<hbm>> -> memref<32x128xf32, #tpu.memory_space<hbm>>
        %dma_start3A_158 = arith.constant 0 : i32
        %dma_start3A_159 = arith.constant 0 : i32
        %dma_start3A_160 = tpu.memref_slice %arg5[%dma_start3A_151, %dma_start3A_158, %dma_start3A_159] : memref<4x32x128xf32, #tpu.memory_space<vmem>> -> memref<1x32x128xf32, #tpu.memory_space<vmem>>
        %dma_start3A_161 = tpu.memref_squeeze %dma_start3A_160 : memref<1x32x128xf32, #tpu.memory_space<vmem>> -> memref<32x128xf32, #tpu.memory_space<vmem>>
        %dma_start3A_162 = arith.constant 0 : i32
        %dma_start3A_163 = tpu.memref_slice %arg2[%add3A_150, %dma_start3A_162] : memref<100000x128xf32, #tpu.memory_space<hbm>> -> memref<32x128xf32, #tpu.memory_space<hbm>>
        tpu.enqueue_dma source(%dma_start3A_163 : memref<32x128xf32, #tpu.memory_space<hbm>>) target(%dma_start3A_161 : memref<32x128xf32, #tpu.memory_space<vmem>>) target_semaphore(%arg9 : memref<!tpu.dma_semaphore, #tpu.memory_space<semaphore_mem>>)
      } else {
      }
      %mul3A_123 = arith.constant 4 : i32
      %mul3A_124 = arith.muli %mul3A_123, %scan3A_53 : i32
      %add3A_125 = arith.constant 3 : i32
      %add3A_126 = arith.addi %mul3A_124, %add3A_125 : i32
      %lt3A_127 = arith.constant 41 : i32
      %lt3A_128 = arith.cmpi slt, %add3A_126, %lt3A_127 : i32
      %convert_element_type3A_129 = arith.extui %lt3A_128 : i1 to i32
      %cond3A_130 = arith.constant 0 : i32
      %cond3A_131 = arith.cmpi ne, %convert_element_type3A_129, %cond3A_130 : i32
      scf.if %cond3A_131 {
        %mul3A_146 = arith.constant 32 : i32
        %mul3A_147 = arith.muli %add3A_126, %mul3A_146 : i32
        %add3A_148 = arith.addi %add3A_4, %mul3A_147 : i32
        %dma_wait3A = arith.constant 3 : i32
        %dma_wait3A_149 = arith.constant 0 : i32
        %dma_wait3A_150 = arith.constant 0 : i32
        %dma_wait3A_151 = tpu.memref_slice %arg5[%dma_wait3A, %dma_wait3A_149, %dma_wait3A_150] : memref<4x32x128xf32, #tpu.memory_space<vmem>> -> memref<1x32x128xf32, #tpu.memory_space<vmem>>
        %dma_wait3A_152 = tpu.memref_squeeze %dma_wait3A_151 : memref<1x32x128xf32, #tpu.memory_space<vmem>> -> memref<32x128xf32, #tpu.memory_space<vmem>>
        %dma_wait3A_153 = arith.constant 0 : i32
        %dma_wait3A_154 = tpu.memref_slice %arg2[%add3A_148, %dma_wait3A_153] : memref<100000x128xf32, #tpu.memory_space<hbm>> -> memref<32x128xf32, #tpu.memory_space<hbm>>
        %dma_wait3A_155 = arith.constant 0 : i32
        %dma_wait3A_156 = arith.constant 0 : i32
        %dma_wait3A_157 = tpu.memref_slice %arg5[%dma_wait3A, %dma_wait3A_155, %dma_wait3A_156] : memref<4x32x128xf32, #tpu.memory_space<vmem>> -> memref<1x32x128xf32, #tpu.memory_space<vmem>>
        %dma_wait3A_158 = tpu.memref_squeeze %dma_wait3A_157 : memref<1x32x128xf32, #tpu.memory_space<vmem>> -> memref<32x128xf32, #tpu.memory_space<vmem>>
        %dma_wait3A_159 = arith.constant 0 : i32
        %dma_wait3A_160 = tpu.memref_slice %arg2[%add3A_148, %dma_wait3A_159] : memref<100000x128xf32, #tpu.memory_space<hbm>> -> memref<32x128xf32, #tpu.memory_space<hbm>>
        tpu.wait_dma2 semaphore(%arg12 : memref<!tpu.dma_semaphore, #tpu.memory_space<semaphore_mem>>) src(%dma_wait3A_160 : memref<32x128xf32, #tpu.memory_space<hbm>>) dst(%dma_wait3A_158 : memref<32x128xf32, #tpu.memory_space<vmem>>)
        %dma_start3A_161 = arith.constant 3 : i32
        %dma_start3A_162 = arith.constant 0 : i32
        %dma_start3A_163 = arith.constant 0 : i32
        %dma_start3A_164 = tpu.memref_slice %arg5[%dma_start3A_161, %dma_start3A_162, %dma_start3A_163] : memref<4x32x128xf32, #tpu.memory_space<vmem>> -> memref<1x32x128xf32, #tpu.memory_space<vmem>>
        %dma_start3A_165 = tpu.memref_squeeze %dma_start3A_164 : memref<1x32x128xf32, #tpu.memory_space<vmem>> -> memref<32x128xf32, #tpu.memory_space<vmem>>
        %dma_start3A_166 = arith.constant 0 : i32
        %dma_start3A_167 = tpu.memref_slice %arg6[%add3A_126, %dma_start3A_166] : memref<41x32xi32, #tpu.memory_space<vmem>> -> memref<1x32xi32, #tpu.memory_space<vmem>>
        %dma_start3A_168 = tpu.memref_squeeze %dma_start3A_167 : memref<1x32xi32, #tpu.memory_space<vmem>> -> memref<32xi32, #tpu.memory_space<vmem>>
        %dma_start3A_169 = arith.constant 0 : i32
        %dma_start3A_170 = arith.constant 0 : i32
        %dma_start3A_171 = tpu.memref_slice %arg8[%dma_start3A_169, %dma_start3A_170] : memref<512x128xf32, #tpu.memory_space<vmem_shared>> -> memref<512x128xf32, #tpu.memory_space<vmem_shared>>
        tpu.enqueue_indirect_dma source(%dma_start3A_165 : memref<32x128xf32, #tpu.memory_space<vmem>>) target(%dma_start3A_171 : memref<512x128xf32, #tpu.memory_space<vmem_shared>>) offsets(%dma_start3A_168 : memref<32xi32, #tpu.memory_space<vmem>>) semaphore(%arg16 : memref<!tpu.dma_semaphore, #tpu.memory_space<semaphore_mem>>) {add = true}
      } else {
      }
      %sub3A_132 = arith.constant 2 : i32
      %sub3A_133 = arith.subi %add3A_126, %sub3A_132 : i32
      %lt3A_134 = arith.constant 41 : i32
      %lt3A_135 = arith.cmpi slt, %sub3A_133, %lt3A_134 : i32
      %convert_element_type3A_136 = arith.extui %lt3A_135 : i1 to i32
      %cond3A_137 = arith.constant 0 : i32
      %cond3A_138 = arith.cmpi ne, %convert_element_type3A_136, %cond3A_137 : i32
      scf.if %cond3A_138 {
        %sub3A_146 = arith.constant 2 : i32
        %sub3A_147 = arith.subi %add3A_126, %sub3A_146 : i32
        %dma_wait3A = arith.constant 1 : i32
        %dma_wait3A_148 = arith.constant 0 : i32
        %dma_wait3A_149 = arith.constant 0 : i32
        %dma_wait3A_150 = tpu.memref_slice %arg5[%dma_wait3A, %dma_wait3A_148, %dma_wait3A_149] : memref<4x32x128xf32, #tpu.memory_space<vmem>> -> memref<1x32x128xf32, #tpu.memory_space<vmem>>
        %dma_wait3A_151 = tpu.memref_squeeze %dma_wait3A_150 : memref<1x32x128xf32, #tpu.memory_space<vmem>> -> memref<32x128xf32, #tpu.memory_space<vmem>>
        %dma_wait3A_152 = arith.constant 0 : i32
        %dma_wait3A_153 = tpu.memref_slice %arg6[%sub3A_147, %dma_wait3A_152] : memref<41x32xi32, #tpu.memory_space<vmem>> -> memref<1x32xi32, #tpu.memory_space<vmem>>
        %dma_wait3A_154 = tpu.memref_squeeze %dma_wait3A_153 : memref<1x32xi32, #tpu.memory_space<vmem>> -> memref<32xi32, #tpu.memory_space<vmem>>
        %dma_wait3A_155 = arith.constant 0 : i32
        %dma_wait3A_156 = arith.constant 0 : i32
        %dma_wait3A_157 = tpu.memref_slice %arg8[%dma_wait3A_155, %dma_wait3A_156] : memref<512x128xf32, #tpu.memory_space<vmem_shared>> -> memref<512x128xf32, #tpu.memory_space<vmem_shared>>
        tpu.wait_indirect_dma semaphore(%arg14 : memref<!tpu.dma_semaphore, #tpu.memory_space<semaphore_mem>>) src(%dma_wait3A_151 : memref<32x128xf32, #tpu.memory_space<vmem>>) dst(%dma_wait3A_157 : memref<512x128xf32, #tpu.memory_space<vmem_shared>>)
      } else {
      }
      %add3A_139 = arith.constant 2 : i32
      %add3A_140 = arith.addi %add3A_126, %add3A_139 : i32
      %lt3A_141 = arith.constant 41 : i32
      %lt3A_142 = arith.cmpi slt, %add3A_140, %lt3A_141 : i32
      %convert_element_type3A_143 = arith.extui %lt3A_142 : i1 to i32
      %cond3A_144 = arith.constant 0 : i32
      %cond3A_145 = arith.cmpi ne, %convert_element_type3A_143, %cond3A_144 : i32
      scf.if %cond3A_145 {
        %add3A_146 = arith.constant 2 : i32
        %add3A_147 = arith.addi %add3A_126, %add3A_146 : i32
        %mul3A_148 = arith.constant 32 : i32
        %mul3A_149 = arith.muli %add3A_147, %mul3A_148 : i32
        %add3A_150 = arith.addi %add3A_4, %mul3A_149 : i32
        %dma_start3A_151 = arith.constant 1 : i32
        %dma_start3A_152 = arith.constant 0 : i32
        %dma_start3A_153 = arith.constant 0 : i32
        %dma_start3A_154 = tpu.memref_slice %arg5[%dma_start3A_151, %dma_start3A_152, %dma_start3A_153] : memref<4x32x128xf32, #tpu.memory_space<vmem>> -> memref<1x32x128xf32, #tpu.memory_space<vmem>>
        %dma_start3A_155 = tpu.memref_squeeze %dma_start3A_154 : memref<1x32x128xf32, #tpu.memory_space<vmem>> -> memref<32x128xf32, #tpu.memory_space<vmem>>
        %dma_start3A_156 = arith.constant 0 : i32
        %dma_start3A_157 = tpu.memref_slice %arg2[%add3A_150, %dma_start3A_156] : memref<100000x128xf32, #tpu.memory_space<hbm>> -> memref<32x128xf32, #tpu.memory_space<hbm>>
        %dma_start3A_158 = arith.constant 0 : i32
        %dma_start3A_159 = arith.constant 0 : i32
        %dma_start3A_160 = tpu.memref_slice %arg5[%dma_start3A_151, %dma_start3A_158, %dma_start3A_159] : memref<4x32x128xf32, #tpu.memory_space<vmem>> -> memref<1x32x128xf32, #tpu.memory_space<vmem>>
        %dma_start3A_161 = tpu.memref_squeeze %dma_start3A_160 : memref<1x32x128xf32, #tpu.memory_space<vmem>> -> memref<32x128xf32, #tpu.memory_space<vmem>>
        %dma_start3A_162 = arith.constant 0 : i32
        %dma_start3A_163 = tpu.memref_slice %arg2[%add3A_150, %dma_start3A_162] : memref<100000x128xf32, #tpu.memory_space<hbm>> -> memref<32x128xf32, #tpu.memory_space<hbm>>
        tpu.enqueue_dma source(%dma_start3A_163 : memref<32x128xf32, #tpu.memory_space<hbm>>) target(%dma_start3A_161 : memref<32x128xf32, #tpu.memory_space<vmem>>) target_semaphore(%arg10 : memref<!tpu.dma_semaphore, #tpu.memory_space<semaphore_mem>>)
      } else {
      }
    }
    %scan3A_47 = arith.constant 11 : i32
    %barrier3A_48 = arith.constant 0 : index
    tpu.barrier barrier_id(%barrier3A_48)
    %mul3A_49 = arith.constant 32 : i32
    %mul3A_50 = arith.muli %arg1, %mul3A_49 : i32
    %mul3A_51 = arith.constant 32 : i32
    %mul3A_52 = arith.muli %arg1, %mul3A_51 : i32
    "tpu.region"() ({
      %run_scoped3A = tpu.sem_alloc : memref<!tpu.dma_semaphore, #tpu.memory_space<semaphore_mem>>
      %dma_start3A_53 = arith.constant 0 : i32
      %dma_start3A_54 = tpu.memref_slice %arg4[%arg0, %mul3A_52, %dma_start3A_53] : memref<2x512x128xf32, #tpu.memory_space<hbm>> -> memref<1x32x128xf32, #tpu.memory_space<hbm>>
      %dma_start3A_55 = tpu.memref_squeeze %dma_start3A_54 : memref<1x32x128xf32, #tpu.memory_space<hbm>> -> memref<32x128xf32, #tpu.memory_space<hbm>>
      %dma_start3A_56 = arith.constant 0 : i32
      %dma_start3A_57 = tpu.memref_slice %arg8[%mul3A_50, %dma_start3A_56] : memref<512x128xf32, #tpu.memory_space<vmem_shared>> -> memref<32x128xf32, #tpu.memory_space<vmem_shared>>
      tpu.enqueue_dma source(%dma_start3A_57 : memref<32x128xf32, #tpu.memory_space<vmem_shared>>) target(%dma_start3A_55 : memref<32x128xf32, #tpu.memory_space<hbm>>) target_semaphore(%run_scoped3A : memref<!tpu.dma_semaphore, #tpu.memory_space<semaphore_mem>>)
      %dma_wait3A = arith.constant 0 : i32
      %dma_wait3A_58 = tpu.memref_slice %arg4[%arg0, %mul3A_52, %dma_wait3A] : memref<2x512x128xf32, #tpu.memory_space<hbm>> -> memref<1x32x128xf32, #tpu.memory_space<hbm>>
      %dma_wait3A_59 = tpu.memref_squeeze %dma_wait3A_58 : memref<1x32x128xf32, #tpu.memory_space<hbm>> -> memref<32x128xf32, #tpu.memory_space<hbm>>
      %dma_wait3A_60 = arith.constant 0 : i32
      %dma_wait3A_61 = tpu.memref_slice %arg8[%mul3A_50, %dma_wait3A_60] : memref<512x128xf32, #tpu.memory_space<vmem_shared>> -> memref<32x128xf32, #tpu.memory_space<vmem_shared>>
      tpu.wait_dma2 semaphore(%run_scoped3A : memref<!tpu.dma_semaphore, #tpu.memory_space<semaphore_mem>>) src(%dma_wait3A_61 : memref<32x128xf32, #tpu.memory_space<vmem_shared>>) dst(%dma_wait3A_59 : memref<32x128xf32, #tpu.memory_space<hbm>>)
      tpu.yield
    }) : () -> ()
    return
  }
}

module attributes {stable_mosaic.version = 14 : i64} {
  func.func @_onehot_kernel(%arg0: i32, %arg1: memref<1x1x1568xi32, #tpu.memory_space<vmem>>, %arg2: memref<1568x128xf32, #tpu.memory_space<vmem>>, %arg3: memref<512x128xf32, #tpu.memory_space<vmem>>) attributes {dimension_semantics = [#tpu.dimension_semantics<arbitrary>], iteration_bounds = array<i64: 37>, scalar_prefetch = 0 : i64, scratch_operands = 0 : i64, tpu.core_type = #tpu.core_type<tc>, window_params = [{transform_indices = @transform_0, window_bounds = array<i64: 1, 1, 1568>}, {transform_indices = @transform_1, window_bounds = array<i64: 1568, 128>}, {pipeline_mode = #tpu.pipeline_mode<synchronous>, transform_indices = @transform_2, window_bounds = array<i64: 512, 128>}]} {
    %eq3A = arith.constant 0 : i32
    %eq3A_0 = arith.cmpi eq, %arg0, %eq3A : i32
    %convert_element_type3A = arith.extui %eq3A_0 : i1 to i32
    %cond3A = arith.constant 0 : i32
    %cond3A_1 = arith.cmpi ne, %convert_element_type3A, %cond3A : i32
    scf.if %cond3A_1 {
      %broadcast_in_dim3A_21 = arith.constant 0.000000e+00 : f32
      %broadcast_in_dim3A_22 = vector.broadcast %broadcast_in_dim3A_21 : f32 to vector<512x128xf32>
      %swap3A_23 = arith.constant 0 : index
      %swap3A_24 = arith.constant 0 : index
      %swap3A_25 = vector.load %arg3[%swap3A_23, %swap3A_24] : memref<512x128xf32, #tpu.memory_space<vmem>>, vector<512x128xf32>
      tpu.vector_store %arg3[%swap3A_23, %swap3A_24], %broadcast_in_dim3A_22 {strides = array<i32>} : memref<512x128xf32, #tpu.memory_space<vmem>>, vector<512x128xf32>,
    } else {
    }
    %get3A = arith.constant 0 : index
    %get3A_2 = arith.constant 0 : index
    %get3A_3 = arith.constant 0 : index
    %get3A_4 = vector.load %arg1[%get3A, %get3A_2, %get3A_3] : memref<1x1x1568xi32, #tpu.memory_space<vmem>>, vector<1x1x1568xi32>
    %get3A_5 = vector.shape_cast %get3A_4 : vector<1x1x1568xi32> to vector<1568xi32>
    %get3A_6 = arith.constant 0 : index
    %get3A_7 = arith.constant 0 : index
    %get3A_8 = vector.load %arg2[%get3A_6, %get3A_7] : memref<1568x128xf32, #tpu.memory_space<vmem>>, vector<1568x128xf32>
    %convert_element_type3A_9 = arith.truncf %get3A_8 : vector<1568x128xf32> to vector<1568x128xbf16>
    %iota3A = tpu.iota {dimensions = array<i32: 1>} : vector<1568x512xi32>
    %broadcast_in_dim3A = vector.shape_cast %get3A_5 : vector<1568xi32> to vector<1568x1xi32>
    %eq3A_10 = vector.broadcast %broadcast_in_dim3A : vector<1568x1xi32> to vector<1568x512xi32>
    %eq3A_11 = arith.cmpi eq, %iota3A, %eq3A_10 : vector<1568x512xi32>
    %convert_element_type3A_12 = arith.extui %eq3A_11 : vector<1568x512xi1> to vector<1568x512xi32>
    %convert_element_type3A_13 = arith.sitofp %convert_element_type3A_12 : vector<1568x512xi32> to vector<1568x512xf32>
    %convert_element_type3A_14 = arith.truncf %convert_element_type3A_13 : vector<1568x512xf32> to vector<1568x512xbf16>
    %get3A_15 = arith.constant 0 : index
    %get3A_16 = arith.constant 0 : index
    %get3A_17 = vector.load %arg3[%get3A_15, %get3A_16] : memref<512x128xf32, #tpu.memory_space<vmem>>, vector<512x128xf32>
    %dot_general3A = arith.constant dense<0.000000e+00> : vector<512x128xf32>
    %dot_general3A_18 = tpu.matmul %convert_element_type3A_14, %convert_element_type3A_9, %dot_general3A {dimension_numbers = #tpu.dot_dimension_numbers<[0], [0], [1], [1], [0, 1, 1, 1], [], []>, transpose_lhs_hint = false} : vector<1568x512xbf16>, vector<1568x128xbf16>, vector<512x128xf32> -> vector<512x128xf32>
    %add3A = arith.addf %get3A_17, %dot_general3A_18 : vector<512x128xf32>
    %swap3A = arith.constant 0 : index
    %swap3A_19 = arith.constant 0 : index
    %swap3A_20 = vector.load %arg3[%swap3A, %swap3A_19] : memref<512x128xf32, #tpu.memory_space<vmem>>, vector<512x128xf32>
    tpu.vector_store %arg3[%swap3A, %swap3A_19], %add3A {strides = array<i32>} : memref<512x128xf32, #tpu.memory_space<vmem>>, vector<512x128xf32>,
    return
  }
  func.func @transform_0(%arg0: i32) -> (i32, i32, i32) {
    %c0_i32 = arith.constant 0 : i32
    %c0_i32_0 = arith.constant 0 : i32
    %c0_i32_1 = arith.constant 0 : i32
    return %arg0, %c0_i32, %c0_i32_0 : i32, i32, i32
  }
  func.func @transform_1(%arg0: i32) -> (i32, i32) {
    %c0_i32 = arith.constant 0 : i32
    %c0_i32_0 = arith.constant 0 : i32
    return %arg0, %c0_i32 : i32, i32
  }
  func.func @transform_2(%arg0: i32) -> (i32, i32) {
    %c0_i32 = arith.constant 0 : i32
    %c0_i32_0 = arith.constant 0 : i32
    %c0_i32_1 = arith.constant 0 : i32
    return %c0_i32, %c0_i32_0 : i32, i32
  }
}

module attributes {stable_mosaic.version = 14 : i64} {
  func.func @_mlp_kernel(%arg0: memref<2x512x128xf32, #tpu.memory_space<vmem>>, %arg1: memref<512x128xf32, #tpu.memory_space<vmem>>, %arg2: memref<64x128xf32, #tpu.memory_space<vmem>>, %arg3: memref<1x64xf32, #tpu.memory_space<vmem>>, %arg4: memref<32x64xf32, #tpu.memory_space<vmem>>, %arg5: memref<1x32xf32, #tpu.memory_space<vmem>>, %arg6: memref<8x32xf32, #tpu.memory_space<vmem>>, %arg7: memref<1x8xf32, #tpu.memory_space<vmem>>, %arg8: memref<512x8xf32, #tpu.memory_space<vmem>>) attributes {dimension_semantics = [], scalar_prefetch = 0 : i64, scratch_operands = 0 : i64, tpu.core_type = #tpu.core_type<tc>} {
    %get3A = arith.constant 0 : index
    %get3A_0 = arith.constant 0 : index
    %get3A_1 = arith.constant 0 : index
    %get3A_2 = vector.load %arg0[%get3A, %get3A_0, %get3A_1] : memref<2x512x128xf32, #tpu.memory_space<vmem>>, vector<1x512x128xf32>
    %get3A_3 = vector.shape_cast %get3A_2 : vector<1x512x128xf32> to vector<512x128xf32>
    %get3A_4 = arith.constant 1 : index
    %get3A_5 = arith.constant 0 : index
    %get3A_6 = arith.constant 0 : index
    %get3A_7 = vector.load %arg0[%get3A_4, %get3A_5, %get3A_6] : memref<2x512x128xf32, #tpu.memory_space<vmem>>, vector<1x512x128xf32>
    %get3A_8 = vector.shape_cast %get3A_7 : vector<1x512x128xf32> to vector<512x128xf32>
    %add3A = arith.addf %get3A_3, %get3A_8 : vector<512x128xf32>
    %get3A_9 = arith.constant 0 : index
    %get3A_10 = arith.constant 0 : index
    %get3A_11 = vector.load %arg1[%get3A_9, %get3A_10] : memref<512x128xf32, #tpu.memory_space<vmem>>, vector<512x128xf32>
    %add3A_12 = arith.addf %add3A, %get3A_11 : vector<512x128xf32>
    %get3A_13 = arith.constant 0 : index
    %get3A_14 = arith.constant 0 : index
    %get3A_15 = vector.load %arg2[%get3A_13, %get3A_14] : memref<64x128xf32, #tpu.memory_space<vmem>>, vector<64x128xf32>
    %dot_general3A = arith.constant dense<0.000000e+00> : vector<512x64xf32>
    %dot_general3A_16 = tpu.matmul %add3A_12, %get3A_15, %dot_general3A {dimension_numbers = #tpu.dot_dimension_numbers<[1], [1], [0], [0], [0, 0, 1, 0], [], []>, transpose_lhs_hint = false} : vector<512x128xf32>, vector<64x128xf32>, vector<512x64xf32> -> vector<512x64xf32>
    %get3A_17 = arith.constant 0 : index
    %get3A_18 = arith.constant 0 : index
    %get3A_19 = vector.load %arg3[%get3A_17, %get3A_18] : memref<1x64xf32, #tpu.memory_space<vmem>>, vector<1x64xf32>
    %add3A_20 = vector.broadcast %get3A_19 : vector<1x64xf32> to vector<512x64xf32>
    %add3A_21 = arith.addf %dot_general3A_16, %add3A_20 : vector<512x64xf32>
    %max3A = arith.constant 0.000000e+00 : f32
    %max3A_22 = vector.broadcast %max3A : f32 to vector<512x64xf32>
    %max3A_23 = arith.maximumf %add3A_21, %max3A_22 : vector<512x64xf32>
    %get3A_24 = arith.constant 0 : index
    %get3A_25 = arith.constant 0 : index
    %get3A_26 = vector.load %arg4[%get3A_24, %get3A_25] : memref<32x64xf32, #tpu.memory_space<vmem>>, vector<32x64xf32>
    %dot_general3A_27 = arith.constant dense<0.000000e+00> : vector<512x32xf32>
    %dot_general3A_28 = tpu.matmul %max3A_23, %get3A_26, %dot_general3A_27 {dimension_numbers = #tpu.dot_dimension_numbers<[1], [1], [0], [0], [0, 0, 1, 0], [], []>, transpose_lhs_hint = false} : vector<512x64xf32>, vector<32x64xf32>, vector<512x32xf32> -> vector<512x32xf32>
    %get3A_29 = arith.constant 0 : index
    %get3A_30 = arith.constant 0 : index
    %get3A_31 = vector.load %arg5[%get3A_29, %get3A_30] : memref<1x32xf32, #tpu.memory_space<vmem>>, vector<1x32xf32>
    %add3A_32 = vector.broadcast %get3A_31 : vector<1x32xf32> to vector<512x32xf32>
    %add3A_33 = arith.addf %dot_general3A_28, %add3A_32 : vector<512x32xf32>
    %max3A_34 = arith.constant 0.000000e+00 : f32
    %max3A_35 = vector.broadcast %max3A_34 : f32 to vector<512x32xf32>
    %max3A_36 = arith.maximumf %add3A_33, %max3A_35 : vector<512x32xf32>
    %get3A_37 = arith.constant 0 : index
    %get3A_38 = arith.constant 0 : index
    %get3A_39 = vector.load %arg6[%get3A_37, %get3A_38] : memref<8x32xf32, #tpu.memory_space<vmem>>, vector<8x32xf32>
    %dot_general3A_40 = arith.constant dense<0.000000e+00> : vector<512x8xf32>
    %dot_general3A_41 = tpu.matmul %max3A_36, %get3A_39, %dot_general3A_40 {dimension_numbers = #tpu.dot_dimension_numbers<[1], [1], [0], [0], [0, 0, 1, 0], [], []>, transpose_lhs_hint = false} : vector<512x32xf32>, vector<8x32xf32>, vector<512x8xf32> -> vector<512x8xf32>
    %get3A_42 = arith.constant 0 : index
    %get3A_43 = arith.constant 0 : index
    %get3A_44 = vector.load %arg7[%get3A_42, %get3A_43] : memref<1x8xf32, #tpu.memory_space<vmem>>, vector<1x8xf32>
    %add3A_45 = vector.broadcast %get3A_44 : vector<1x8xf32> to vector<512x8xf32>
    %add3A_46 = arith.addf %dot_general3A_41, %add3A_45 : vector<512x8xf32>
    %swap3A = arith.constant 0 : index
    %swap3A_47 = arith.constant 0 : index
    %swap3A_48 = vector.load %arg8[%swap3A, %swap3A_47] : memref<512x8xf32, #tpu.memory_space<vmem>>, vector<512x8xf32>
    tpu.vector_store %arg8[%swap3A, %swap3A_47], %add3A_46 {strides = array<i32>} : memref<512x8xf32, #tpu.memory_space<vmem>>, vector<512x8xf32>,
    return
  }
}

</mosaic_0001>

<sc_bundles>
// kernel: kernel.5.cloned.1.call-start
scs
__scs_entry_jumppad:
0x0: {  	(pc) =	sbr.rel $0x88, $3  }
0x1: {  	(tag) =	ssettag $0x0;
	lr =	simm.s32 $0x1  }
0x2: {  	[smem:$0x3F98] =	sst lr;
	_ =	strace $0xD0000000  }
0x3: {  	_ = 	snop  }
0x4: {  	_ = 	snop  }
0x5: {  	_ = 	snop  }
0x6: {  	_ = 	snop  }
0x7: {  	_ = 	snop  }
__scs_overlays_trampoline_lowered:
0x8: {  	[smem:$0x3FA7] =	sst s0  }
0x9: {  	[smem:$0x3FA8] =	sst s1  }
0xa: {  	[smem:$0x3FA9] =	sst s2  }
0xb: {  	[smem:$0x3FAA] =	sst s3  }
0xc: {  	[smem:$0x3FAB] =	sst s4  }
0xd: {  	[smem:$0x3FAC] =	sst s5  }
0xe: {  	[smem:$0x3FAD] =	sst s6  }
0xf: {  	[smem:$0x3FAE] =	sst s7  }
0x10: {  	[smem:$0x3FAF] =	sst s8  }
0x11: {  	[smem:$0x3FB0] =	sst s9;
	s0 =	simm.s32 @!p0 $0x0  }
0x12: {  	s1 =	sld [smem:$0x3F96];
	s0 =	simm.s32 @p0 $0x1  }
0x13: {  	[smem:$0x3FB1] =	sst s0;
	s0 =	simm.s32 @!p1 $0x0  }
0x14: {  	s2 =	sld [smem:$0x3F95];
	s0 =	simm.s32 @p1 $0x1  }
0x15: {  	[smem:$0x3FB2] =	sst s0;
	s0 =	simm.s32 @!p2 $0x0  }
0x16: {  	s3 =	sld [smem:$0x3FDB];
	s0 =	simm.s32 @p2 $0x1  }
0x17: {  	s4 =	simm.s32 $0x1BF5;
	[smem:$0x3FB4] =	sst s0  }
0x18: {  	s0 =	sld [smem:$0x3F97];
	_ =	swait.ge [sflag:s4], $0x0  }
0x19: {  	s7 =	sld [smem:$0x3F98]  }
0x1a: {  	s8 =	sadd.s32 $0xFFFFE003, lr  }
0x1b: {  	s9 =	sadd.s32 $0xFFFFFEF7, lr;
	s5 =	simm.s32 $0xFFFFFFFF;
	p2 =	slt.u32 s8, $0xFFFFF086  }
0x1c: {  	p1 =	slt.u32 s9, $0xF7A;
	s5 =	simm.s32 @!p2 $0x0  }
0x1d: {  	s5 =	simm.s32 @p1 $0x1;
	p0 =	seq.s32 s7, s2  }
0x1e: {  	s7 =	smul.u32 @!p0 $0xF7A, s2;
	p2 =	seq.s32 @!p0 s5, $0x0  }
0x1f: {  	s9 =	smul.u32 $0xF7A, s1;
	s8 =	simm.s32 @!p0 $0x1BF5;
	p2 =	por !p2, p0  }
0x20: {  	[sflag:s8] =	ssyncset.s32 @!p0 $0xFFFFF086;
	s6 =	sadd.s32 @!p0 s3, s7;
	s7 =	simm.s32 @!p0 $0x108  }
0x21: {  	s3 =	sadd.s32 s3, s9;
	s6 =	sadd.s32 @!p0 $0x88, s6;
	s7 =	simm.s32 @p2 $0x1082  }
0x22: {  	[simem:s7], [sflag:s8] =	dma.local @!p0 [hbm:s6], $0xF7A  }
0x23: {  	s9 =	sor.u32 $0xD0000000, s2;
	s6 =	simm.s32 $0x108;
	_ =	swait.ge @!p0 [sflag:s8], $0x0  }
0x24: {  	s3 =	sadd.s32 $0x88, s3;
	s6 =	simm.s32 @!p1 $0x1082;
	[sflag:s4] =	ssyncset.s32 $0xFFFFF086  }
0x25: {  	[simem:s6], [sflag:s4] =	dma.local [hbm:s3], $0xF7A  }
0x26: {  	[smem:$0x3F98] =	sst s1;
	(tag) =	ssettag s2;
	_ =	strace s9  }
0x27: {  	s1 =	sld [smem:$0x3FA8]  }
0x28: {  	s2 =	sld [smem:$0x3FA9]  }
0x29: {  	s4 =	sld [smem:$0x3FAB]  }
0x2a: {  	p0 =	seq.s32 s5, $0x0;
	s5 =	sld [smem:$0x3FAC]  }
0x2b: {  	s6 =	sld [smem:$0x3FAD]  }
0x2c: {  	s7 =	sld [smem:$0x3FAE]  }
0x2d: {  	s3 =	simm.s32 $0x108;
	s8 =	sld [smem:$0x3FAF]  }
0x2e: {  	s3 =	simm.s32 @!p0 $0x1082;
	s9 =	sld [smem:$0x3FB0]  }
0x2f: {  	lr =	sadd.s32 s0, s3;
	s0 =	sld [smem:$0x3FA7]  }
0x30: {  	s3 =	sld [smem:$0x3FAA]  }
0x31: {  	[smem:$0x3FB3] =	sst s10  }
0x32: {  	s10 =	sld [smem:$0x3FB1];
	_ =	sdelay $0x3  }
0x33: {  	p0 =	seq.s32 s10, $0x1;
	s10 =	sld [smem:$0x3FB3];
	_ =	sdelay $0x3  }
0x34: {  	[smem:$0x3FB3] =	sst s10  }
0x35: {  	s10 =	sld [smem:$0x3FB2];
	_ =	sdelay $0x3  }
0x36: {  	p1 =	seq.s32 s10, $0x1;
	s10 =	sld [smem:$0x3FB3];
	_ =	sdelay $0x3  }
0x37: {  	[smem:$0x3FB3] =	sst s10  }
0x38: {  	s10 =	sld [smem:$0x3FB4]  }
0x39: {  	_ = 	snop;
	(pc) =	sbr.ind lr, $3  }
0x3a: {  	_ = 	snop  }
0x3b: {  	_ = 	snop  }
0x3c: {  	p2 =	seq.s32 s10, $0x1;
	s10 =	sld [smem:$0x3FB3]  }
0x3d: {  	_ =	shalt  }
0x3e: {  	_ =	shalt  }
0x3f: {  	_ =	shalt  }
0x40: {  	_ =	shalt  }
0x41: {  	_ =	shalt  }
0x42: {  	_ =	shalt  }
0x43: {  	_ =	shalt  }
0x44: {  	_ =	shalt  }
0x45: {  	_ =	shalt  }
0x46: {  	_ =	shalt  }
0x47: {  	_ =	shalt  }
0x48: {  	_ =	shalt  }
0x49: {  	_ =	shalt  }
0x4a: {  	_ =	shalt  }
0x4b: {  	_ =	shalt  }
0x4c: {  	_ =	shalt  }
0x4d: {  	_ =	shalt  }
0x4e: {  	_ =	shalt  }
0x4f: {  	_ =	shalt  }
0x50: {  	_ =	shalt  }
0x51: {  	_ =	shalt  }
0x52: {  	_ =	shalt  }
0x53: {  	_ =	shalt  }
0x54: {  	_ =	shalt  }
0x55: {  	_ =	shalt  }
0x56: {  	_ =	shalt  }
0x57: {  	_ =	shalt  }
0x58: {  	_ =	shalt  }
0x59: {  	_ =	shalt  }
0x5a: {  	_ =	shalt  }
0x5b: {  	_ =	shalt  }
0x5c: {  	_ =	shalt  }
0x5d: {  	_ =	shalt  }
0x5e: {  	_ =	shalt  }
0x5f: {  	_ =	shalt  }
0x60: {  	_ =	shalt  }
0x61: {  	_ =	shalt  }
0x62: {  	_ =	shalt  }
0x63: {  	_ =	shalt  }
0x64: {  	_ =	shalt  }
0x65: {  	_ =	shalt  }
0x66: {  	_ =	shalt  }
0x67: {  	_ =	shalt  }
0x68: {  	_ =	shalt  }
0x69: {  	_ =	shalt  }
0x6a: {  	_ =	shalt  }
0x6b: {  	_ =	shalt  }
0x6c: {  	_ =	shalt  }
0x6d: {  	_ =	shalt  }
0x6e: {  	_ =	shalt  }
0x6f: {  	_ =	shalt  }
0x70: {  	_ =	shalt  }
0x71: {  	_ =	shalt  }
0x72: {  	_ =	shalt  }
0x73: {  	_ =	shalt  }
0x74: {  	_ =	shalt  }
0x75: {  	_ =	shalt  }
0x76: {  	_ =	shalt  }
0x77: {  	_ =	shalt  }
0x78: {  	_ =	shalt  }
0x79: {  	_ =	shalt  }
0x7a: {  	_ =	shalt  }
0x7b: {  	_ =	shalt  }
0x7c: {  	_ =	shalt  }
0x7d: {  	_ =	shalt  }
0x7e: {  	_ =	shalt  }
0x7f: {  	_ =	shalt  }
0x80: {  	_ =	shalt  }
0x81: {  	_ =	shalt  }
0x82: {  	_ =	shalt  }
0x83: {  	_ =	shalt  }
0x84: {  	_ =	shalt  }
0x85: {  	_ =	shalt  }
0x86: {  	_ =	shalt  }
0x87: {  	_ =	shalt  }
.Lfunc_end0:
.L_simem_size_0:
called_computation_lowered:
.L_overlay_start_0:
0x88: {  	s2 =	sld [smem:$0x3FD9]  }
0x89: {  	s3 =	sld [smem:$0x3FFE];
	_ =	sdelay $0x1  }
0x8a: {  	s1 =	srdreg.scid  }
0x8b: {  	s0 =	sand.u32 $0x1, s1  }
0x8c: {  	s17 =	sshll.u32 s0, $0xA;
	s2 =	sadd.s32 s3, s2  }
0x8d: {  	s2 =	sadd.s32 s2, s17  }
0x8e: {  	[smem:$0x3FBF] =	sst s2  }
0x8f: {  	_ = 	snop  }
0x90: {  	s2 =	sld [smem:$0x3FC9];
	(tm) =	ssettm $0x1  }
0x91: {  	s18 =	sld [smem:$0x3FFB];
	_ =	sdelay $0x3  }
0x92: {  	_ =	strace s18  }
0x93: {  	s3 =	sld [smem:$0x3FFC];
	_ =	sdelay $0x3  }
0x94: {  	_ =	strace s3  }
0x95: {  	s3 =	sld [smem:$0x3FFD];
	_ =	sdelay $0x3  }
0x96: {  	_ =	strace s3  }
0x97: {  	_ =	strace $0x8FFFFFFF  }
0x98: {  	s19 =	sld [smem:$0x3FDB];
	_ =	sdelay $0x1  }
0x99: {  	s4 =	simm.s32 $_scs_section_size  }
0x9a: {  	s5 =	simm.s32 $_size__tile_overlayer_lowered;
	s6 =	simm.s32 $_tile_overlayer_lowered  }
0x9b: {  	s22 =	simm.s32 $0x1BFF;
	s21 =	sshll.u32 s6, $0x1;
	s3 =	sadd.s32 s4, s19  }
0x9c: {  	s7 =	simm.s32 $0x0;
	s20 =	sshll.u32 s5, $0x1;
	s5 =	sadd.s32 s21, s3  }
0x9d: {  	[timem:s7], [sflag:s22] =	dma.local [hbm:s5], s20  }
0x9e: {  	_ =	swait.ge [sflag:s22], s20  }
0x9f: {  	s4 =	ssub.s32 $0x0, s20;
	[sflag:s22] =	ssyncset.done $0x0  }
0xa0: {  	[sflag:s22] =	ssyncadd.s32 s4;
	_ =	sdelay $0x1  }
0xa1: {  	s23 =	simm.s32 $0x1B8B  }
0xa2: {  	_ =	swait.ge [sflag:s23], $0x1  }
0xa3: {  	[sflag:s23] =	ssyncset.done $0x0  }
0xa4: {  	s25 =	simm.s32 $0x1B8E;
	s24 =	sld [smem:$0x3FFE];
	[sflag:s23] =	ssyncadd.s32 $0xFFFFFFFF  }
0xa5: {  	s26 =	simm.s32 $execute0_lowered;
	[smem:$0x3FD2] =	sst s25  }
0xa6: {  	s5 =	sshll.u32 s26, $0x1;
	_ =	strace $0x80000046;
	[dreg:$0x1] =	wrdreg $0xFFFFFFFF  }
0xa7: {  	s28 =	simm.s32 $_size_execute0_lowered;
	s3 =	sadd.s32 s3, s5;
	[dreg:$0x0] =	wrdreg $0x0  }
0xa8: {  	s5 =	sshll.u32 s28, $0x1;
	[dreg:$0x2] =	wrdreg s3  }
0xa9: {  	[dreg:$0x3] =	wrdreg s5  }
0xaa: {  	[dreg:$0x4] =	wrdreg $0xC0  }
0xab: {  	_ =	task [dreg:s7], $0x5FFFF  }
0xac: {  	[dreg:$0x1] =	wrdreg $0xFFFFFFFF  }
0xad: {  	[dreg:$0x0] =	wrdreg $0x60  }
0xae: {  	[dreg:$0x2] =	wrdreg s2  }
0xaf: {  	[dreg:$0x3] =	wrdreg s24  }
0xb0: {  	[dreg:$0x4] =	wrdreg $0x68000  }
0xb1: {  	[dreg:$0x5] =	wrdreg $0x9  }
0xb2: {  	_ =	task.clear_ibuf [dreg:s7], $0x6FFFF;
	_ =	strace $0x90000046  }
0xb3: {  	s29 =	simm.s32 $0x9;
	_ =	strace $0x80000048  }
0xb4: {  	_ =	swait.ge [sflag:s29], $0x1  }
0xb5: {  	[sflag:s29] =	ssyncadd.s32 $0xFFFFFFFF  }
0xb6: {  	_ =	strace $0x90000048  }
0xb7: {  	_ =	sfence  }
0xb8: {  	s30 =	sld [smem:$0x0];
	_ =	sdelay $0x2  }
0xb9: {  	s31 =	sshll.u32 s1, $0xD;
	s1 =	sshrl.u32 s1, $0x2  }
0xba: {  	s3 =	sand.u32 $0x4000, s31;
	s1 =	sadd.s32 s1, s30  }
0xbb: {  	s0 =	sor.u32 s3, s0;
	s1 =	sshll.u32 s1, $0x11  }
0xbc: {  	s0 =	sor.u32 s1, s0  }
0xbd: {  	s0 =	sadd.s32 $0x8F2B, s0  }
0xbe: {  	[sflag:s0] =	ssyncadd.remote.s32 $0x1  }
0xbf: {  	_ =	sfence.sel $0xFFFF  }
0xc0: {  	[dreg:$0x0] =	wrdreg $0xFFFFFFFF;
	(pc) =	sbr.abs _section_cstart, $3  }
0xc1: {  	[dreg:$0x1] =	wrdreg $0xFFFFFFFF  }
0xc2: {  	_ =	task.clear_ibuf [dreg:s7], $0x2FFFF;
	_ =	strace $0x9FFFFFFF  }
0xc3: {  	(tm) =	ssettm $0x7FFFFFFF  }
tec
execute0_lowered:
.L_overlay_start_1:
0x0: {  	(tag) =	ssettag $0x1  }
0x1: {  	s8 =	rddreg [dreg:$0x0]  }
0x2: {  	s1 =	srdreg.scid;
	s4 =	rddreg [dreg:$0x1]  }
0x3: {  	s0 =	stileid.u32;
	s2 =	rddreg [dreg:$0x2]  }
0x4: {  	s3 =	simm.s32 $0x0;
	s15 =	simm.s32 $0x1;
	s16 =	simm.s32 $0x20  }
0x5: {  	s17 =	simm.s32 $0x3000;
	s18 =	simm.s32 $0x5;
	s19 =	simm.s32 $0x0  }
0x6: {  	s7 =	sand.u32 $0x1, s1;
	s28 =	sshll.u32 s0, $0x1;
	s1 =	rddreg [dreg:$0x3]  }
0x7: {  	[smem:$0x7FF] =	sst s3;
	s10 =	sshll.u32 s0, $0x9;
	s30 =	smul.u32 $0xA400, s0  }
0x8: {  	s12 =	sshll.u32 s0, $0xC;
	s5 =	sor.u32 s7, s28;
	s14 =	smul.u32 $0x5200, s7  }
0x9: {  	_ =	strace $0x80000047;
	s10 =	sadd.s32 s10, s4;
	s6 =	smul.u32 $0x300, s5  }
0xa: {  	s29 =	ssub.s32 $0x2, s7;
	s13 =	sshll.u32 s7, $0xD;
	s9 =	smul.u32 $0x5200, s5  }
0xb: {  	s7 =	sadd.s32 s12, s2;
	s12 =	simm.s32 $0x4000;
	s5 =	smul.u32 $0x29000, s5  }
0xc: {  	s11 =	sshrl.u32 s29, $0x1;
	s10 =	sadd.s32 s13, s10;
	s31 =	sadd.s32 s30, s8  }
.Ltmp0:
0xd: {  	s13 =	simm.s32 $0x9;
	s11 =	ssub.s32 s29, s11;
	(pc) =	sbr.rel .LBB2_1-.Ltmp0, $4  }
0xe: {  	s6 =	sadd.s32 s6, s4;
	s9 =	sadd.s32 s8, s9;
	s5 =	sshrl.u32 s5, $0x3  }
0xf: {  	s4 =	sadd.s32 $0xE2A00, s9;
	s5 =	sadd.s32 s8, s5;
	s6 =	sadd.s32 $0x1600, s6  }
0x10: {  	s8 =	sadd.s32 $0x7600, s10;
	s9 =	smax.u32 s11, $0x1;
	s10 =	sadd.s32 s14, s31  }
0x11: {  	v0 =	vimm.f32 $0.0e+00;
	s11 =	simm.s32 $0x1000;
	s14 =	simm.s32 $0x5800;
	s5 =	sadd.s32 $0xE2C00, s5  }
.LBB2_7:
0x12: {  	s19 =	sadd.s32 $0x1, s19  }
0x13: {  	s20 =	sshll.u32 s0, $0x6;
	[bflag:$0x0] =	sbarrier.arrive $0xFFFF;
	p0 =	sne.s32 s19, s9  }
.Ltmp1:
0x14: {  	s21 =	sshrl.u32 s7, $0x3;
	s20 =	sor.u32 $0x1C09, s20;
	(pc) =	sbr.rel @!p0 .LBB2_8-.Ltmp1, $4  }
0x15: {  	[hbm:s8], [sflag:s20] =	dma.local [spmem:s21], $0x200  }
0x16: {  	_ =	swait.ge [sflag:s13], $0x200  }
0x17: {  	[sflag:s13] =	ssyncset.done $0x0  }
0x18: {  	[sflag:s13] =	ssyncadd.s32 $0xFFFFFE00  }
.LBB2_1:
0x19: {  	[tilespmem:s3], [sflag:$0x1] =	stream.linear.gather [hbm4b:s4+s3], $0x1000, $0x38;
	[tilespmem:$0x7800] =	vst v63  }
0x1a: {  	_ = 	snop  }
0x1b: {  	[tilespmem:s11], [sflag:$0x2] =	stream.linear.gather [hbm4b:s5+s3], $0x1000, $0x38;
	[tilespmem:$0x7800] =	vst v63  }
0x1c: {  	_ = 	snop  }
0x1d: {  	[tilespmem:s12], [sflag:$0x9] =	stream.linear.gather [hbm4b:s6+s3], $0x1480, $0x38;
	[tilespmem:$0x7800] =	vst v63  }
0x1e: {  	_ =	swait.ge [sflag:s13], $0x1480  }
0x1f: {  	[sflag:s13] =	ssyncset.done $0x0  }
0x20: {  	s20 =	simm.s32 $0x0;
	s21 =	simm.s32 $0x200;
	[sflag:s13] =	ssyncadd.s32 $0xFFFFEB80  }
.LBB2_2:
0x21: {  	p0 =	sne.s32 s21, $0x3E00;
	[tilespmem:s20+$0x5870] =	vst v0  }
0x22: {  	[tilespmem:s20+$0x5800] =	vst v0  }
0x23: {  	[tilespmem:s20+$0x5810] =	vst v0  }
.Ltmp2:
0x24: {  	[tilespmem:s20+$0x5820] =	vst v0;
	(pc) =	sbr.rel @p0 .LBB2_2-.Ltmp2, $4  }
0x25: {  	[tilespmem:s20+$0x5830] =	vst v0  }
0x26: {  	[tilespmem:s20+$0x5840] =	vst v0  }
0x27: {  	[tilespmem:s20+$0x5850] =	vst v0  }
0x28: {  	[tilespmem:s20+$0x5860] =	vst v0;
	s20 =	sshra.s32 s21, $0x2;
	s21 =	sadd.s32 $0x200, s21  }
0x29: {  	[tilespmem:s20+$0x5870] =	vst v0  }
0x2a: {  	[tilespmem:s20+$0x5800] =	vst v0  }
0x2b: {  	[tilespmem:s20+$0x5810] =	vst v0  }
0x2c: {  	[tilespmem:s20+$0x5820] =	vst v0  }
0x2d: {  	[tilespmem:s20+$0x5830] =	vst v0  }
0x2e: {  	[tilespmem:s20+$0x5840] =	vst v0  }
0x2f: {  	[tilespmem:s20+$0x5850] =	vst v0  }
0x30: {  	[tilespmem:s20+$0x5860] =	vst v0  }
0x31: {  	[spmem:s7] =	stream.linear.scatter [tilespmem:s14], [sflag:$0x9], $0x1000, $0x38;
	[tilespmem:$0x7800] =	vst v63  }
.Ltmp3:
0x32: {  	_ =	swait.ge [sflag:s13], $0x1000;
	(pc) =	sbr.rel .LBB2_4-.Ltmp3, $4  }
0x33: {  	[sflag:s13] =	ssyncset.done $0x0  }
0x34: {  	[sflag:s13] =	ssyncadd.s32 $0xFFFFF000  }
0x35: {  	[bflag:$0x0] =	sbarrier.arrive $0xFFFF  }
0x36: {  	s20 =	simm.s32 $0x0;
	s21 =	simm.s32 $0x3;
	s22 =	simm.s32 $0x0  }
.LBB2_6:
0x37: {  	s25 =	simm.s32 @!p1 $0x3  }
0x38: {  	_ =	swait.ge @!p1 [sflag:s25], $0x1000  }
0x39: {  	s26 =	sshra.s32 @!p1 s20, $0x2;
	[sflag:s25] =	ssyncset.done @!p1 $0x0  }
0x3a: {  	[sflag:s25] =	ssyncadd.s32 @!p1 $0xFFFFF000;
	s25 =	sadd.s32 @!p1 $0x4100, s26;
	s26 =	simm.s32 @!p1 $0x20  }
0x3b: {  	[spmem:s2] =	stream.indirect.scatter.add.f32 @!p1 [tilespmem:s23], [sflag:$0x7], $0x80, s25, s26, $0xb8;
	[tilespmem:$0x7800] =	vst v63  }
0x3c: {  	p1 =	seq.s32 s20, $0x5000;
	_ =	swait.ge [sflag:s18], $0x1000  }
0x3d: {  	s23 =	sadd.s32 @!p1 s20, s10;
	[sflag:s18] =	ssyncset.done $0x0  }
0x3e: {  	s25 =	simm.s32 @!p1 $0x0;
	s23 =	sadd.s32 @!p1 $0xE3200, s23;
	[sflag:s18] =	ssyncadd.s32 $0xFFFFF000  }
0x3f: {  	[tilespmem:s25], [sflag:$0x1] =	stream.linear.gather @!p1 [hbm4b:s23+s25], $0x1000, $0x38;
	[tilespmem:$0x7800] =	vst v63  }
0x40: {  	s23 =	simm.s32 @p2 $0x4  }
0x41: {  	_ =	swait.ge @p2 [sflag:s23], $0x1000  }
0x42: {  	s24 =	sshll.u32 @p2 s24, $0x7;
	[sflag:s23] =	ssyncset.done @p2 $0x0  }
0x43: {  	[sflag:s23] =	ssyncadd.s32 @p2 $0xFFFFF000;
	s23 =	sand.u32 @p2 $0x3FFFFF80, s24  }
0x44: {  	s25 =	simm.s32 @p2 $0x3000;
	s24 =	simm.s32 @p2 $0x20;
	s23 =	sadd.s32 @p2 $0x4000, s23  }
0x45: {  	[spmem:s2] =	stream.indirect.scatter.add.f32 @p2 [tilespmem:s25], [sflag:$0x8], $0x80, s23, s24, $0xb8;
	[tilespmem:$0x7800] =	vst v63  }
0x46: {  	s23 =	simm.s32 @!p0 $0x6  }
0x47: {  	_ =	swait.ge @!p0 [sflag:s23], $0x1000  }
0x48: {  	p1 =	sgt.u32 s22, $0x8;
	[sflag:s23] =	ssyncset.done @!p0 $0x0  }
0x49: {  	[sflag:s23] =	ssyncadd.s32 @!p0 $0xFFFFF000;
	s23 =	sadd.s32 @!p1 s20, s10;
	s20 =	sadd.s32 $0x800, s20  }
0x4a: {  	p0 =	sne.s32 s20, $0x5800  }
.Ltmp4:
0x4b: {  	_ = 	snop;
	(pc) =	sbr.rel @!p0 .LBB2_7-.Ltmp4, $4  }
0x4c: {  	_ = 	snop  }
0x4d: {  	s21 =	sadd.s32 $0x4, s21;
	s22 =	sadd.s32 $0x1, s22  }
0x4e: {  	s24 =	simm.s32 @!p1 $0x0;
	s25 =	simm.s32 @!p1 $0x1000;
	s23 =	sadd.s32 @!p1 $0xE3400, s23  }
0x4f: {  	[tilespmem:s25], [sflag:$0x2] =	stream.linear.gather @!p1 [hbm4b:s23+s24], $0x1000, $0x38;
	[tilespmem:$0x7800] =	vst v63  }
.LBB2_4:
0x50: {  	_ =	swait.ge [sflag:s15], $0x1000  }
0x51: {  	s23 =	sshra.s32 s20, $0x2;
	s30 =	sadd.s32 $0xFFFFFFFB, s21;
	[sflag:s15] =	ssyncset.done $0x0  }
0x52: {  	s23 =	sadd.s32 $0x4000, s23;
	p0 =	sgt.u32 s30, $0x28;
	[sflag:s15] =	ssyncadd.s32 $0xFFFFF000  }
0x53: {  	[spmem:s2] =	stream.indirect.scatter.add.f32 [tilespmem:s3], [sflag:$0x5], $0x80, s23, s16, $0xb8;
	[tilespmem:$0x7800] =	vst v63  }
0x54: {  	s23 =	simm.s32 @!p0 $0x7  }
0x55: {  	s24 =	sadd.s32 $0xFFFFFFFF, s21;
	_ =	swait.ge @!p0 [sflag:s23], $0x1000  }
0x56: {  	s31 =	sadd.s32 $0xFFFFFFFE, s21;
	p1 =	sgt.u32 s24, $0x28;
	[sflag:s23] =	ssyncset.done @!p0 $0x0  }
0x57: {  	s25 =	simm.s32 @!p1 $0x0;
	[sflag:s23] =	ssyncadd.s32 @!p0 $0xFFFFF000;
	s23 =	sadd.s32 @!p1 s20, s10  }
0x58: {  	p0 =	sgt.u32 s31, $0x28;
	s24 =	sadd.s32 @!p1 $0xE2E00, s23;
	s23 =	simm.s32 @!p1 $0x2000  }
0x59: {  	[tilespmem:s23], [sflag:$0x3] =	stream.linear.gather @!p1 [hbm4b:s24+s25], $0x1000, $0x38;
	[tilespmem:$0x7800] =	vst v63  }
0x5a: {  	s24 =	simm.s32 @!p0 $0x2  }
0x5b: {  	_ =	swait.ge @!p0 [sflag:s24], $0x1000  }
0x5c: {  	[sflag:s24] =	ssyncset.done @!p0 $0x0  }
0x5d: {  	[sflag:s24] =	ssyncadd.s32 @!p0 $0xFFFFF000;
	s24 =	sshra.s32 @!p0 s20, $0x2  }
0x5e: {  	s26 =	simm.s32 @!p0 $0x1000;
	s25 =	simm.s32 @!p0 $0x20;
	s24 =	sadd.s32 @!p0 $0x4080, s24  }
0x5f: {  	[spmem:s2] =	stream.indirect.scatter.add.f32 @!p0 [tilespmem:s26], [sflag:$0x6], $0x80, s24, s25, $0xb8;
	[tilespmem:$0x7800] =	vst v63  }
0x60: {  	s24 =	sadd.s32 @!p0 $0xFFFFFFFC, s21  }
0x61: {  	p2 =	sgt.u32 @!p0 s24, $0x28  }
0x62: {  	p3 =	por p0, !p2  }
0x63: {  	p2 =	sgt.u32 @p3 s21, $0x28  }
0x64: {  	p4 =	por !p3, !p2  }
.Ltmp5:
0x65: {  	_ = 	snop;
	(pc) =	sbr.rel @!p4 .LBB2_6-.Ltmp5, $4  }
0x66: {  	s24 =	simm.s32 @p3 $0x8  }
0x67: {  	_ =	swait.ge @p3 [sflag:s24], $0x1000  }
0x68: {  	[sflag:s24] =	ssyncset.done @p3 $0x0  }
0x69: {  	p2 =	por @p3 $0x0, $0x0;
	[sflag:s24] =	ssyncadd.s32 @p3 $0xFFFFF000;
	s24 =	smov.u32 s21  }
.Ltmp6:
0x6a: {  	s24 =	smov.u32 s21;
	(pc) =	sbr.rel .LBB2_6-.Ltmp6, $4  }
0x6b: {  	s24 =	simm.s32 @!p3 $0x3  }
0x6c: {  	s25 =	sshll.u32 s24, $0x9  }
0x6d: {  	p2 =	por $0x1, $0x1;
	s25 =	sadd.s32 s25, s4  }
0x6e: {  	[tilespmem:s17], [sflag:$0x4] =	stream.linear.gather [hbm4b:s25+s3], $0x1000, $0x38;
	[tilespmem:$0x7800] =	vst v63  }
.LBB2_8:
0x6f: {  	_ =	sfence.sel $0x180000  }
0x70: {  	[bflag:$0x0] =	sbarrier.arrive $0xFFFF  }
0x71: {  	p0 =	sne.s32 s0, $0x0;
	_ =	strace $0x90000047  }
0x72: {  	s0 =	sadd.s32 @!p0 $0x100000, s1;
	[bflag:$0x2] =	sbarrier.arrive $0xFFFF  }
0x73: {  	[sflag:s0] =	ssyncadd.tile.s32 @!p0 $0x1;
	_ =	shalt  }
.Lfunc_end2:
_tile_overlayer_lowered:
.L_overlay_start_2:
0x74: {  	(tag) =	ssettag $0x2  }
0x75: {  	s0 =	rddreg [dreg:$0x0];
	s2 =	stileid.u32  }
0x76: {  	s1 =	rddreg [dreg:$0x1];
	p0 =	sne.s32 s2, $0x0  }
0x77: {  	s3 =	rddreg [dreg:$0x2];
	[bflag:$0x3] =	sbarrier.arrive $0xFFFF;
	s2 =	simm.s32 @!p0 $0x1C09  }
0x78: {  	[timem:s3], [sflag:s2] =	dma.local @!p0 [hbm:s0], s1  }
0x79: {  	s0 =	simm.s32 @!p0 $0x9  }
0x7a: {  	_ =	swait.ge @!p0 [sflag:s0], s1  }
0x7b: {  	s1 =	ssub.s32 @!p0 $0x0, s1;
	[sflag:s0] =	ssyncset.done @!p0 $0x0  }
0x7c: {  	[sflag:s0] =	ssyncadd.s32 @!p0 s1  }
0x7d: {  	[bflag:$0x3] =	sbarrier.arrive $0xFFFF  }
0x7e: {  	_ =	shalt  }

</sc_bundles>
